<compile_context>
chip_gen: v7x
topology: tpu7x:2x2x1
jax: 0.10.2.dev20260603
libtpu: 0.0.44.dev20260713+nightly
codegen_flags: <defaults>
</compile_context>

<pallas_src>
import functools

import jax
import jax.numpy as jnp
from jax import lax
from jax.experimental import pallas as pl
from jax.experimental.pallas import tpu as pltpu
from jax.experimental.pallas import tpu_sc as plsc

_K = 8
_RADIUS = 0.1
_BIG = 3.0e38
_BLK = 128
_TBLK = 512
_N = 4096
_B = 4
_C = 16


def _idx_body(qt_ref, pt_ref, out_ref, p2_ref, ptb_ref):
    b = pl.program_id(0)
    i = pl.program_id(1)

    @pl.when(i == 0)
    def _():
        ptt = pt_ref[0]
        p2_ref[0] = jnp.sum(ptt * ptt, axis=0)
        ptb_ref[...] = ptt.astype(jnp.bfloat16)

    qt = qt_ref[0]
    q2 = jnp.sum(qt * qt, axis=0)
    qp = lax.dot_general(
        qt.astype(jnp.bfloat16), ptb_ref[...],
        (((0,), (0,)), ((), ())),
        preferred_element_type=jnp.float32)
    d = q2[:, None] + p2_ref[0][None, :] - 2.0 * qp

    iota = lax.broadcasted_iota(jnp.int32, (_TBLK, _N), 1)
    du = lax.bitcast_convert_type(d, jnp.int32)
    dp = lax.bitcast_convert_type(
        jnp.bitwise_or(jnp.bitwise_and(du, ~0xFFF), iota), jnp.float32)

    q = _N // 16
    e = [dp[:, k * q:(k + 1) * q] for k in range(16)]

    def _low3(a, b, c, d):
        l1, h1 = jnp.minimum(a, b), jnp.maximum(a, b)
        l2, h2 = jnp.minimum(c, d), jnp.maximum(c, d)
        s1, m1 = jnp.minimum(l1, l2), jnp.maximum(l1, l2)
        m2 = jnp.minimum(h1, h2)
        return s1, jnp.minimum(m1, m2), jnp.maximum(m1, m2)

    def _merge3(x, y):
        s1 = jnp.minimum(x[0], y[0])
        m1 = jnp.maximum(x[0], y[0])
        n2 = jnp.minimum(x[1], y[1])
        s2 = jnp.minimum(m1, n2)
        s3 = jnp.minimum(jnp.maximum(m1, n2), jnp.minimum(x[2], y[2]))
        return s1, s2, s3

    s1, s2, s3 = _merge3(
        _merge3(_low3(*e[:4]), _low3(*e[4:8])),
        _merge3(_low3(*e[8:12]), _low3(*e[12:])))

    jsel0 = None
    rows = []
    for t in range(_K):
        rmin = jnp.min(s1, axis=1)
        rbits = lax.bitcast_convert_type(rmin, jnp.int32)
        jsel = jnp.bitwise_and(rbits, 0xFFF)
        dmin = lax.bitcast_convert_type(
            jnp.bitwise_and(rbits, ~0xFFF), jnp.float32)
        if t == 0:
            jsel0 = jsel
        rows.append(jnp.where(dmin <= _RADIUS, jsel, jsel0))
        if t < _K - 1:
            m = s1 == rmin[:, None]
            s1 = jnp.where(m, s2, s1)
            s2 = jnp.where(m, s3, s2)

    idx = jnp.stack(rows, axis=0) + b * _N
    for c in range(_TBLK // _BLK):
        out_ref[0, c] = idx[:, c * _BLK:(c + 1) * _BLK]


def _tc_indices(pt):
    return pl.pallas_call(
        _idx_body,
        grid=(_B, _N // _TBLK),
        in_specs=[
            pl.BlockSpec((1, 3, _TBLK), lambda b, i: (b, 0, i)),
            pl.BlockSpec((1, 3, _N), lambda b, i: (b, 0, 0)),
        ],
        out_specs=pl.BlockSpec((1, _TBLK // _BLK, _K, _BLK),
                               lambda b, i: (b, i, 0, 0)),
        out_shape=jax.ShapeDtypeStruct((_B, _N // _BLK, _K, _BLK), jnp.int32),
        scratch_shapes=[
            pltpu.VMEM((1, _N), jnp.float32),
            pltpu.VMEM((3, _N), jnp.bfloat16),
        ],
    )(pt, pt)


_NC, _NS = 2, 16
_NW = _NC * _NS
_NBLOCKS = _B * _N // _BLK
_BPW = _NBLOCKS // _NW


def _sc_l1_body(mask_hbm, idx_hbm, out_hbm, idx_v, own_v, nb_v, acc_v, sem):
    wid = lax.axis_index("s") * _NC + lax.axis_index("c")

    def block_body(blk, acc):
        g = wid * _BPW + blk
        b = g // (_N // _BLK)
        i = g % (_N // _BLK)
        pltpu.sync_copy(idx_hbm.at[b, i], idx_v)
        pltpu.sync_copy(mask_hbm.at[pl.ds(g * _BLK, _BLK)], own_v)
        copies = [
            pltpu.async_copy(mask_hbm.at[idx_v.at[s]], nb_v.at[s], sem)
            for s in range(_K)
        ]
        for c in copies:
            c.wait()

        def q_body(q, acc):
            own = own_v[q]
            for s in range(_K):
                acc = acc + jnp.abs(own - nb_v[s, q])
            return acc

        return lax.fori_loop(0, _BLK, q_body, acc)

    acc = lax.fori_loop(0, _BPW, block_body, jnp.zeros((_C,), jnp.float32))
    acc_v[...] = acc
    pltpu.sync_copy(acc_v, out_hbm.at[wid])


@functools.lru_cache(maxsize=1)
def _sc_l1():
    return pl.kernel(
        _sc_l1_body,
        mesh=plsc.VectorSubcoreMesh(core_axis_name="c", subcore_axis_name="s"),
        compiler_params=pltpu.CompilerParams(use_tc_tiling_on_sc=False),
        out_type=jax.ShapeDtypeStruct((_NW, _C), jnp.float32),
        scratch_types=[
            pltpu.VMEM((_K, _BLK), jnp.int32),
            pltpu.VMEM((_BLK, _C), jnp.float32),
            pltpu.VMEM((_K, _BLK, _C), jnp.float32),
            pltpu.VMEM((_C,), jnp.float32),
            pltpu.SemaphoreType.DMA,
        ],
    )


def kernel(pc, mask):
    pt = jnp.transpose(pc, (0, 2, 1))
    idx = _tc_indices(pt)
    mask2 = mask.reshape(_B * _N, _C)
    parts = _sc_l1()(mask2, idx)
    return jnp.sum(parts) / jnp.float32(_B * _N * _K)

# --- scband reference (transcript-rebuilt; emitter-appended) ---
"""Pipeline reference for scband-knn-loss-12841952215428 (READ-ONLY COPY).

The authoritative reference and input builder live on the scoring server;
editing this copy changes nothing except your own understanding.
"""

import jax, jax.numpy as jnp
import numpy as np

K = 8
RADIUS = 0.1


def setup_inputs(seed: int = 0):
    key = jax.random.key(seed)
    k1, k2 = jax.random.split(key)
    pc = jax.random.normal(k1, (4, 4096, 3), dtype=jnp.float32)
    mask = jax.random.uniform(k2, (4, 4096, 16), dtype=jnp.float32)
    return {"pc": pc, "mask": mask}


def _knn(k, q, p):
    # squared pairwise distances (B, N, M), smallest-k selected
    q2 = jnp.sum(q * q, axis=-1, keepdims=True)            # (B, N, 1)
    p2 = jnp.sum(p * p, axis=-1, keepdims=True)            # (B, M, 1)
    d = q2 + jnp.swapaxes(p2, 1, 2) - 2.0 * jnp.einsum('bnd,bmd->bnm', q, p)
    neg_d, idx = jax.lax.top_k(-d, k)
    return -neg_d, idx


def _grouping_operation(feat, idx):
    # feat: (B, C, N), idx: (B, N, k) -> out[b, c, n, j] = feat[b, c, idx[b, n, j]]
    return jax.vmap(lambda m, i: jnp.take(m, i, axis=1))(feat, idx)


def reference(pc, mask):
    # pc: (B, N, 3), mask: (B, N, C)
    mask_t = jnp.transpose(mask, (0, 2, 1))                # (B, C, N)
    dist, idx = _knn(K, pc, pc)                            # (B, N, K)
    tmp_idx = jnp.repeat(idx[:, :, 0:1], K, axis=2)        # nearest (self) index broadcast
    idx = jnp.where(dist > RADIUS, tmp_idx, idx)
    idx = jax.lax.stop_gradient(idx)
    nn_mask = _grouping_operation(mask_t, idx)             # (B, C, N, K)
    diff = mask_t[:, :, :, None] - nn_mask                 # (B, C, N, K)
    loss = jnp.sum(jnp.abs(diff), axis=1)                  # L1 norm over C -> (B, N, K)
    loss = jnp.mean(loss, axis=-1)                         # mean over K -> (B, N)
    return jnp.mean(loss)

if __name__ == "__main__":
    import jax
    _d = setup_inputs()
    print(jax.jit(kernel)(*tuple(_d.values())))

</pallas_src>

<mosaic_0001>
#map = affine_map<(d0, d1) -> (0, 0)>
#map1 = affine_map<(d0, d1) -> (0, 0, 0, 0)>
module attributes {stable_mosaic.version = 14 : i64} {
  func.func @_sc_l1_body(%arg0: i32, %arg1: i32, %arg2: memref<16384x16xf32, #tpu.memory_space<hbm>>, %arg3: memref<4x32x8x128xi32, #tpu.memory_space<hbm>>, %arg4: memref<32x16xf32, #tpu.memory_space<hbm>>, %arg5: memref<8x128xi32, #tpu.memory_space<vmem>>, %arg6: memref<128x16xf32, #tpu.memory_space<vmem>>, %arg7: memref<8x128x16xf32, #tpu.memory_space<vmem>>, %arg8: memref<16xf32, #tpu.memory_space<vmem>>, %arg9: memref<!tpu.dma_semaphore, #tpu.memory_space<semaphore_mem>>) attributes {dimension_semantics = [#tpu.dimension_semantics<core_parallel>, #tpu.dimension_semantics<subcore_parallel>], iteration_bounds = array<i64: 2, 16>, scalar_prefetch = 0 : i64, scratch_operands = 5 : i64, tpu.core_type = #tpu.core_type<sc_vector_subcore>, window_params = [{transform_indices = #map}, {transform_indices = #map1}, {transform_indices = #map}]} {
    %mul3A = arith.constant 2 : i32
    %mul3A_0 = arith.muli %arg1, %mul3A : i32
    %add3A = arith.addi %mul3A_0, %arg0 : i32
    %broadcast_in_dim3A = arith.constant 0.000000e+00 : f32
    %broadcast_in_dim3A_1 = vector.broadcast %broadcast_in_dim3A : f32 to vector<16xf32>
    %scan3A = arith.constant 0 : i32
    %scan3A_2 = arith.constant 4 : i32
    %scan3A_3 = arith.addi %scan3A, %scan3A_2 : i32
    %scan3A_4 = arith.constant 1 : i32
    %scan3A_5 = scf.for %scan3A_10 = %scan3A to %scan3A_3 step %scan3A_4 iter_args(%scan3A_11 = %broadcast_in_dim3A_1) -> (vector<16xf32>)  : i32 {
      %mul3A_12 = arith.constant 4 : i32
      %mul3A_13 = arith.muli %add3A, %mul3A_12 : i32
      %add3A_14 = arith.addi %mul3A_13, %scan3A_10 : i32
      %jit3A = arith.constant 32 : i32
      %div3A = arith.divsi %add3A_14, %jit3A : i32
      %sign3A = arith.constant 0 : i32
      %sign3A_15 = arith.cmpi sgt, %add3A_14, %sign3A : i32
      %sign3A_16 = arith.extui %sign3A_15 : i1 to i32
      %sign3A_17 = arith.constant 0 : i32
      %sign3A_18 = arith.cmpi slt, %add3A_14, %sign3A_17 : i32
      %sign3A_19 = arith.extui %sign3A_18 : i1 to i32
      %sign3A_20 = arith.subi %sign3A_16, %sign3A_19 : i32
      %sign3A_21 = arith.constant 0 : i32
      %sign3A_22 = arith.cmpi sgt, %jit3A, %sign3A_21 : i32
      %sign3A_23 = arith.extui %sign3A_22 : i1 to i32
      %sign3A_24 = arith.constant 0 : i32
      %sign3A_25 = arith.cmpi slt, %jit3A, %sign3A_24 : i32
      %sign3A_26 = arith.extui %sign3A_25 : i1 to i32
      %sign3A_27 = arith.subi %sign3A_23, %sign3A_26 : i32
      %ne3A = arith.cmpi ne, %sign3A_20, %sign3A_27 : i32
      %rem3A = arith.remsi %add3A_14, %jit3A : i32
      %ne3A_28 = arith.constant 0 : i32
      %ne3A_29 = arith.cmpi ne, %rem3A, %ne3A_28 : i32
      %and3A = arith.andi %ne3A, %ne3A_29 : i1
      %sub3A = arith.constant 1 : i32
      %sub3A_30 = arith.subi %div3A, %sub3A : i32
      %select_n3A = arith.select %and3A, %sub3A_30, %div3A : i32
      %jit3A_31 = arith.constant 32 : i32
      %eq3A = arith.constant 0 : i32
      %eq3A_32 = arith.cmpi eq, %jit3A_31, %eq3A : i32
      %jit3A_33 = arith.constant 1 : i32
      %select_n3A_34 = arith.select %eq3A_32, %jit3A_33, %jit3A_31 : i32
      %rem3A_35 = arith.remsi %add3A_14, %select_n3A_34 : i32
      %ne3A_36 = arith.constant 0 : i32
      %ne3A_37 = arith.cmpi ne, %rem3A_35, %ne3A_36 : i32
      %lt3A = arith.constant 0 : i32
      %lt3A_38 = arith.cmpi slt, %rem3A_35, %lt3A : i32
      %lt3A_39 = arith.constant 0 : i32
      %lt3A_40 = arith.cmpi slt, %select_n3A_34, %lt3A_39 : i32
      %ne3A_41 = arith.xori %lt3A_38, %lt3A_40 : i1
      %and3A_42 = arith.andi %ne3A_41, %ne3A_37 : i1
      %add3A_43 = arith.addi %rem3A_35, %select_n3A_34 : i32
      %select_n3A_44 = arith.select %and3A_42, %add3A_43, %rem3A_35 : i32
      "tpu.region"() ({
        %run_scoped3A = tpu.sem_alloc : memref<!tpu.dma_semaphore, #tpu.memory_space<semaphore_mem>>
        %dma_start3A_243 = arith.constant 0 : i32
        %dma_start3A_244 = arith.constant 0 : i32
        %dma_start3A_245 = tpu.memref_slice %arg3[%select_n3A, %select_n3A_44, %dma_start3A_243, %dma_start3A_244] : memref<4x32x8x128xi32, #tpu.memory_space<hbm>> -> memref<1x1x8x128xi32, #tpu.memory_space<hbm>>
        %dma_start3A_246 = tpu.memref_squeeze %dma_start3A_245 : memref<1x1x8x128xi32, #tpu.memory_space<hbm>> -> memref<8x128xi32, #tpu.memory_space<hbm>>
        %dma_start3A_247 = arith.constant 0 : i32
        %dma_start3A_248 = arith.constant 0 : i32
        %dma_start3A_249 = tpu.memref_slice %arg3[%select_n3A, %select_n3A_44, %dma_start3A_247, %dma_start3A_248] : memref<4x32x8x128xi32, #tpu.memory_space<hbm>> -> memref<1x1x8x128xi32, #tpu.memory_space<hbm>>
        %dma_start3A_250 = tpu.memref_squeeze %dma_start3A_249 : memref<1x1x8x128xi32, #tpu.memory_space<hbm>> -> memref<8x128xi32, #tpu.memory_space<hbm>>
        tpu.enqueue_dma source(%dma_start3A_250 : memref<8x128xi32, #tpu.memory_space<hbm>>) target(%arg5 : memref<8x128xi32, #tpu.memory_space<vmem>>) target_semaphore(%run_scoped3A : memref<!tpu.dma_semaphore, #tpu.memory_space<semaphore_mem>>)
        %dma_wait3A_251 = arith.constant 0 : i32
        %dma_wait3A_252 = arith.constant 0 : i32
        %dma_wait3A_253 = tpu.memref_slice %arg3[%select_n3A, %select_n3A_44, %dma_wait3A_251, %dma_wait3A_252] : memref<4x32x8x128xi32, #tpu.memory_space<hbm>> -> memref<1x1x8x128xi32, #tpu.memory_space<hbm>>
        %dma_wait3A_254 = tpu.memref_squeeze %dma_wait3A_253 : memref<1x1x8x128xi32, #tpu.memory_space<hbm>> -> memref<8x128xi32, #tpu.memory_space<hbm>>
        %dma_wait3A_255 = arith.constant 0 : i32
        %dma_wait3A_256 = arith.constant 0 : i32
        %dma_wait3A_257 = tpu.memref_slice %arg3[%select_n3A, %select_n3A_44, %dma_wait3A_255, %dma_wait3A_256] : memref<4x32x8x128xi32, #tpu.memory_space<hbm>> -> memref<1x1x8x128xi32, #tpu.memory_space<hbm>>
        %dma_wait3A_258 = tpu.memref_squeeze %dma_wait3A_257 : memref<1x1x8x128xi32, #tpu.memory_space<hbm>> -> memref<8x128xi32, #tpu.memory_space<hbm>>
        tpu.wait_dma2 semaphore(%run_scoped3A : memref<!tpu.dma_semaphore, #tpu.memory_space<semaphore_mem>>) src(%dma_wait3A_258 : memref<8x128xi32, #tpu.memory_space<hbm>>) dst(%arg5 : memref<8x128xi32, #tpu.memory_space<vmem>>)
        tpu.yield
      }) : () -> ()
      %mul3A_45 = arith.constant 128 : i32
      %mul3A_46 = arith.muli %add3A_14, %mul3A_45 : i32
      "tpu.region"() ({
        %run_scoped3A = tpu.sem_alloc : memref<!tpu.dma_semaphore, #tpu.memory_space<semaphore_mem>>
        %dma_start3A_243 = arith.constant 0 : i32
        %dma_start3A_244 = tpu.memref_slice %arg2[%mul3A_46, %dma_start3A_243] : memref<16384x16xf32, #tpu.memory_space<hbm>> -> memref<128x16xf32, #tpu.memory_space<hbm>>
        %dma_start3A_245 = arith.constant 0 : i32
        %dma_start3A_246 = tpu.memref_slice %arg2[%mul3A_46, %dma_start3A_245] : memref<16384x16xf32, #tpu.memory_space<hbm>> -> memref<128x16xf32, #tpu.memory_space<hbm>>
        tpu.enqueue_dma source(%dma_start3A_246 : memref<128x16xf32, #tpu.memory_space<hbm>>) target(%arg6 : memref<128x16xf32, #tpu.memory_space<vmem>>) target_semaphore(%run_scoped3A : memref<!tpu.dma_semaphore, #tpu.memory_space<semaphore_mem>>)
        %dma_wait3A_247 = arith.constant 0 : i32
        %dma_wait3A_248 = tpu.memref_slice %arg2[%mul3A_46, %dma_wait3A_247] : memref<16384x16xf32, #tpu.memory_space<hbm>> -> memref<128x16xf32, #tpu.memory_space<hbm>>
        %dma_wait3A_249 = arith.constant 0 : i32
        %dma_wait3A_250 = tpu.memref_slice %arg2[%mul3A_46, %dma_wait3A_249] : memref<16384x16xf32, #tpu.memory_space<hbm>> -> memref<128x16xf32, #tpu.memory_space<hbm>>
        tpu.wait_dma2 semaphore(%run_scoped3A : memref<!tpu.dma_semaphore, #tpu.memory_space<semaphore_mem>>) src(%dma_wait3A_250 : memref<128x16xf32, #tpu.memory_space<hbm>>) dst(%arg6 : memref<128x16xf32, #tpu.memory_space<vmem>>)
        tpu.yield
      }) : () -> ()
      %dma_start3A = arith.constant 0 : i32
      %dma_start3A_47 = arith.constant 0 : i32
      %dma_start3A_48 = arith.constant 0 : i32
      %dma_start3A_49 = arith.constant 0 : i32
      %dma_start3A_50 = tpu.memref_slice %arg7[%dma_start3A_47, %dma_start3A_48, %dma_start3A_49] : memref<8x128x16xf32, #tpu.memory_space<vmem>> -> memref<1x128x16xf32, #tpu.memory_space<vmem>>
      %dma_start3A_51 = tpu.memref_squeeze %dma_start3A_50 : memref<1x128x16xf32, #tpu.memory_space<vmem>> -> memref<128x16xf32, #tpu.memory_space<vmem>>
      %dma_start3A_52 = arith.constant 0 : i32
      %dma_start3A_53 = tpu.memref_slice %arg5[%dma_start3A, %dma_start3A_52] : memref<8x128xi32, #tpu.memory_space<vmem>> -> memref<1x128xi32, #tpu.memory_space<vmem>>
      %dma_start3A_54 = tpu.memref_squeeze %dma_start3A_53 : memref<1x128xi32, #tpu.memory_space<vmem>> -> memref<128xi32, #tpu.memory_space<vmem>>
      %dma_start3A_55 = arith.constant 0 : i32
      %dma_start3A_56 = arith.constant 0 : i32
      %dma_start3A_57 = tpu.memref_slice %arg2[%dma_start3A_55, %dma_start3A_56] : memref<16384x16xf32, #tpu.memory_space<hbm>> -> memref<16384x16xf32, #tpu.memory_space<hbm>>
      tpu.enqueue_indirect_dma source(%dma_start3A_57 : memref<16384x16xf32, #tpu.memory_space<hbm>>) target(%dma_start3A_51 : memref<128x16xf32, #tpu.memory_space<vmem>>) offsets(%dma_start3A_54 : memref<128xi32, #tpu.memory_space<vmem>>) semaphore(%arg9 : memref<!tpu.dma_semaphore, #tpu.memory_space<semaphore_mem>>)
      %dma_start3A_58 = arith.constant 1 : i32
      %dma_start3A_59 = arith.constant 1 : i32
      %dma_start3A_60 = arith.constant 0 : i32
      %dma_start3A_61 = arith.constant 0 : i32
      %dma_start3A_62 = tpu.memref_slice %arg7[%dma_start3A_59, %dma_start3A_60, %dma_start3A_61] : memref<8x128x16xf32, #tpu.memory_space<vmem>> -> memref<1x128x16xf32, #tpu.memory_space<vmem>>
      %dma_start3A_63 = tpu.memref_squeeze %dma_start3A_62 : memref<1x128x16xf32, #tpu.memory_space<vmem>> -> memref<128x16xf32, #tpu.memory_space<vmem>>
      %dma_start3A_64 = arith.constant 0 : i32
      %dma_start3A_65 = tpu.memref_slice %arg5[%dma_start3A_58, %dma_start3A_64] : memref<8x128xi32, #tpu.memory_space<vmem>> -> memref<1x128xi32, #tpu.memory_space<vmem>>
      %dma_start3A_66 = tpu.memref_squeeze %dma_start3A_65 : memref<1x128xi32, #tpu.memory_space<vmem>> -> memref<128xi32, #tpu.memory_space<vmem>>
      %dma_start3A_67 = arith.constant 0 : i32
      %dma_start3A_68 = arith.constant 0 : i32
      %dma_start3A_69 = tpu.memref_slice %arg2[%dma_start3A_67, %dma_start3A_68] : memref<16384x16xf32, #tpu.memory_space<hbm>> -> memref<16384x16xf32, #tpu.memory_space<hbm>>
      tpu.enqueue_indirect_dma source(%dma_start3A_69 : memref<16384x16xf32, #tpu.memory_space<hbm>>) target(%dma_start3A_63 : memref<128x16xf32, #tpu.memory_space<vmem>>) offsets(%dma_start3A_66 : memref<128xi32, #tpu.memory_space<vmem>>) semaphore(%arg9 : memref<!tpu.dma_semaphore, #tpu.memory_space<semaphore_mem>>)
      %dma_start3A_70 = arith.constant 2 : i32
      %dma_start3A_71 = arith.constant 2 : i32
      %dma_start3A_72 = arith.constant 0 : i32
      %dma_start3A_73 = arith.constant 0 : i32
      %dma_start3A_74 = tpu.memref_slice %arg7[%dma_start3A_71, %dma_start3A_72, %dma_start3A_73] : memref<8x128x16xf32, #tpu.memory_space<vmem>> -> memref<1x128x16xf32, #tpu.memory_space<vmem>>
      %dma_start3A_75 = tpu.memref_squeeze %dma_start3A_74 : memref<1x128x16xf32, #tpu.memory_space<vmem>> -> memref<128x16xf32, #tpu.memory_space<vmem>>
      %dma_start3A_76 = arith.constant 0 : i32
      %dma_start3A_77 = tpu.memref_slice %arg5[%dma_start3A_70, %dma_start3A_76] : memref<8x128xi32, #tpu.memory_space<vmem>> -> memref<1x128xi32, #tpu.memory_space<vmem>>
      %dma_start3A_78 = tpu.memref_squeeze %dma_start3A_77 : memref<1x128xi32, #tpu.memory_space<vmem>> -> memref<128xi32, #tpu.memory_space<vmem>>
      %dma_start3A_79 = arith.constant 0 : i32
      %dma_start3A_80 = arith.constant 0 : i32
      %dma_start3A_81 = tpu.memref_slice %arg2[%dma_start3A_79, %dma_start3A_80] : memref<16384x16xf32, #tpu.memory_space<hbm>> -> memref<16384x16xf32, #tpu.memory_space<hbm>>
      tpu.enqueue_indirect_dma source(%dma_start3A_81 : memref<16384x16xf32, #tpu.memory_space<hbm>>) target(%dma_start3A_75 : memref<128x16xf32, #tpu.memory_space<vmem>>) offsets(%dma_start3A_78 : memref<128xi32, #tpu.memory_space<vmem>>) semaphore(%arg9 : memref<!tpu.dma_semaphore, #tpu.memory_space<semaphore_mem>>)
      %dma_start3A_82 = arith.constant 3 : i32
      %dma_start3A_83 = arith.constant 3 : i32
      %dma_start3A_84 = arith.constant 0 : i32
      %dma_start3A_85 = arith.constant 0 : i32
      %dma_start3A_86 = tpu.memref_slice %arg7[%dma_start3A_83, %dma_start3A_84, %dma_start3A_85] : memref<8x128x16xf32, #tpu.memory_space<vmem>> -> memref<1x128x16xf32, #tpu.memory_space<vmem>>
      %dma_start3A_87 = tpu.memref_squeeze %dma_start3A_86 : memref<1x128x16xf32, #tpu.memory_space<vmem>> -> memref<128x16xf32, #tpu.memory_space<vmem>>
      %dma_start3A_88 = arith.constant 0 : i32
      %dma_start3A_89 = tpu.memref_slice %arg5[%dma_start3A_82, %dma_start3A_88] : memref<8x128xi32, #tpu.memory_space<vmem>> -> memref<1x128xi32, #tpu.memory_space<vmem>>
      %dma_start3A_90 = tpu.memref_squeeze %dma_start3A_89 : memref<1x128xi32, #tpu.memory_space<vmem>> -> memref<128xi32, #tpu.memory_space<vmem>>
      %dma_start3A_91 = arith.constant 0 : i32
      %dma_start3A_92 = arith.constant 0 : i32
      %dma_start3A_93 = tpu.memref_slice %arg2[%dma_start3A_91, %dma_start3A_92] : memref<16384x16xf32, #tpu.memory_space<hbm>> -> memref<16384x16xf32, #tpu.memory_space<hbm>>
      tpu.enqueue_indirect_dma source(%dma_start3A_93 : memref<16384x16xf32, #tpu.memory_space<hbm>>) target(%dma_start3A_87 : memref<128x16xf32, #tpu.memory_space<vmem>>) offsets(%dma_start3A_90 : memref<128xi32, #tpu.memory_space<vmem>>) semaphore(%arg9 : memref<!tpu.dma_semaphore, #tpu.memory_space<semaphore_mem>>)
      %dma_start3A_94 = arith.constant 4 : i32
      %dma_start3A_95 = arith.constant 4 : i32
      %dma_start3A_96 = arith.constant 0 : i32
      %dma_start3A_97 = arith.constant 0 : i32
      %dma_start3A_98 = tpu.memref_slice %arg7[%dma_start3A_95, %dma_start3A_96, %dma_start3A_97] : memref<8x128x16xf32, #tpu.memory_space<vmem>> -> memref<1x128x16xf32, #tpu.memory_space<vmem>>
      %dma_start3A_99 = tpu.memref_squeeze %dma_start3A_98 : memref<1x128x16xf32, #tpu.memory_space<vmem>> -> memref<128x16xf32, #tpu.memory_space<vmem>>
      %dma_start3A_100 = arith.constant 0 : i32
      %dma_start3A_101 = tpu.memref_slice %arg5[%dma_start3A_94, %dma_start3A_100] : memref<8x128xi32, #tpu.memory_space<vmem>> -> memref<1x128xi32, #tpu.memory_space<vmem>>
      %dma_start3A_102 = tpu.memref_squeeze %dma_start3A_101 : memref<1x128xi32, #tpu.memory_space<vmem>> -> memref<128xi32, #tpu.memory_space<vmem>>
      %dma_start3A_103 = arith.constant 0 : i32
      %dma_start3A_104 = arith.constant 0 : i32
      %dma_start3A_105 = tpu.memref_slice %arg2[%dma_start3A_103, %dma_start3A_104] : memref<16384x16xf32, #tpu.memory_space<hbm>> -> memref<16384x16xf32, #tpu.memory_space<hbm>>
      tpu.enqueue_indirect_dma source(%dma_start3A_105 : memref<16384x16xf32, #tpu.memory_space<hbm>>) target(%dma_start3A_99 : memref<128x16xf32, #tpu.memory_space<vmem>>) offsets(%dma_start3A_102 : memref<128xi32, #tpu.memory_space<vmem>>) semaphore(%arg9 : memref<!tpu.dma_semaphore, #tpu.memory_space<semaphore_mem>>)
      %dma_start3A_106 = arith.constant 5 : i32
      %dma_start3A_107 = arith.constant 5 : i32
      %dma_start3A_108 = arith.constant 0 : i32
      %dma_start3A_109 = arith.constant 0 : i32
      %dma_start3A_110 = tpu.memref_slice %arg7[%dma_start3A_107, %dma_start3A_108, %dma_start3A_109] : memref<8x128x16xf32, #tpu.memory_space<vmem>> -> memref<1x128x16xf32, #tpu.memory_space<vmem>>
      %dma_start3A_111 = tpu.memref_squeeze %dma_start3A_110 : memref<1x128x16xf32, #tpu.memory_space<vmem>> -> memref<128x16xf32, #tpu.memory_space<vmem>>
      %dma_start3A_112 = arith.constant 0 : i32
      %dma_start3A_113 = tpu.memref_slice %arg5[%dma_start3A_106, %dma_start3A_112] : memref<8x128xi32, #tpu.memory_space<vmem>> -> memref<1x128xi32, #tpu.memory_space<vmem>>
      %dma_start3A_114 = tpu.memref_squeeze %dma_start3A_113 : memref<1x128xi32, #tpu.memory_space<vmem>> -> memref<128xi32, #tpu.memory_space<vmem>>
      %dma_start3A_115 = arith.constant 0 : i32
      %dma_start3A_116 = arith.constant 0 : i32
      %dma_start3A_117 = tpu.memref_slice %arg2[%dma_start3A_115, %dma_start3A_116] : memref<16384x16xf32, #tpu.memory_space<hbm>> -> memref<16384x16xf32, #tpu.memory_space<hbm>>
      tpu.enqueue_indirect_dma source(%dma_start3A_117 : memref<16384x16xf32, #tpu.memory_space<hbm>>) target(%dma_start3A_111 : memref<128x16xf32, #tpu.memory_space<vmem>>) offsets(%dma_start3A_114 : memref<128xi32, #tpu.memory_space<vmem>>) semaphore(%arg9 : memref<!tpu.dma_semaphore, #tpu.memory_space<semaphore_mem>>)
      %dma_start3A_118 = arith.constant 6 : i32
      %dma_start3A_119 = arith.constant 6 : i32
      %dma_start3A_120 = arith.constant 0 : i32
      %dma_start3A_121 = arith.constant 0 : i32
      %dma_start3A_122 = tpu.memref_slice %arg7[%dma_start3A_119, %dma_start3A_120, %dma_start3A_121] : memref<8x128x16xf32, #tpu.memory_space<vmem>> -> memref<1x128x16xf32, #tpu.memory_space<vmem>>
      %dma_start3A_123 = tpu.memref_squeeze %dma_start3A_122 : memref<1x128x16xf32, #tpu.memory_space<vmem>> -> memref<128x16xf32, #tpu.memory_space<vmem>>
      %dma_start3A_124 = arith.constant 0 : i32
      %dma_start3A_125 = tpu.memref_slice %arg5[%dma_start3A_118, %dma_start3A_124] : memref<8x128xi32, #tpu.memory_space<vmem>> -> memref<1x128xi32, #tpu.memory_space<vmem>>
      %dma_start3A_126 = tpu.memref_squeeze %dma_start3A_125 : memref<1x128xi32, #tpu.memory_space<vmem>> -> memref<128xi32, #tpu.memory_space<vmem>>
      %dma_start3A_127 = arith.constant 0 : i32
      %dma_start3A_128 = arith.constant 0 : i32
      %dma_start3A_129 = tpu.memref_slice %arg2[%dma_start3A_127, %dma_start3A_128] : memref<16384x16xf32, #tpu.memory_space<hbm>> -> memref<16384x16xf32, #tpu.memory_space<hbm>>
      tpu.enqueue_indirect_dma source(%dma_start3A_129 : memref<16384x16xf32, #tpu.memory_space<hbm>>) target(%dma_start3A_123 : memref<128x16xf32, #tpu.memory_space<vmem>>) offsets(%dma_start3A_126 : memref<128xi32, #tpu.memory_space<vmem>>) semaphore(%arg9 : memref<!tpu.dma_semaphore, #tpu.memory_space<semaphore_mem>>)
      %dma_start3A_130 = arith.constant 7 : i32
      %dma_start3A_131 = arith.constant 7 : i32
      %dma_start3A_132 = arith.constant 0 : i32
      %dma_start3A_133 = arith.constant 0 : i32
      %dma_start3A_134 = tpu.memref_slice %arg7[%dma_start3A_131, %dma_start3A_132, %dma_start3A_133] : memref<8x128x16xf32, #tpu.memory_space<vmem>> -> memref<1x128x16xf32, #tpu.memory_space<vmem>>
      %dma_start3A_135 = tpu.memref_squeeze %dma_start3A_134 : memref<1x128x16xf32, #tpu.memory_space<vmem>> -> memref<128x16xf32, #tpu.memory_space<vmem>>
      %dma_start3A_136 = arith.constant 0 : i32
      %dma_start3A_137 = tpu.memref_slice %arg5[%dma_start3A_130, %dma_start3A_136] : memref<8x128xi32, #tpu.memory_space<vmem>> -> memref<1x128xi32, #tpu.memory_space<vmem>>
      %dma_start3A_138 = tpu.memref_squeeze %dma_start3A_137 : memref<1x128xi32, #tpu.memory_space<vmem>> -> memref<128xi32, #tpu.memory_space<vmem>>
      %dma_start3A_139 = arith.constant 0 : i32
      %dma_start3A_140 = arith.constant 0 : i32
      %dma_start3A_141 = tpu.memref_slice %arg2[%dma_start3A_139, %dma_start3A_140] : memref<16384x16xf32, #tpu.memory_space<hbm>> -> memref<16384x16xf32, #tpu.memory_space<hbm>>
      tpu.enqueue_indirect_dma source(%dma_start3A_141 : memref<16384x16xf32, #tpu.memory_space<hbm>>) target(%dma_start3A_135 : memref<128x16xf32, #tpu.memory_space<vmem>>) offsets(%dma_start3A_138 : memref<128xi32, #tpu.memory_space<vmem>>) semaphore(%arg9 : memref<!tpu.dma_semaphore, #tpu.memory_space<semaphore_mem>>)
      %dma_wait3A = arith.constant 0 : i32
      %dma_wait3A_142 = arith.constant 0 : i32
      %dma_wait3A_143 = arith.constant 0 : i32
      %dma_wait3A_144 = arith.constant 0 : i32
      %dma_wait3A_145 = tpu.memref_slice %arg7[%dma_wait3A_142, %dma_wait3A_143, %dma_wait3A_144] : memref<8x128x16xf32, #tpu.memory_space<vmem>> -> memref<1x128x16xf32, #tpu.memory_space<vmem>>
      %dma_wait3A_146 = tpu.memref_squeeze %dma_wait3A_145 : memref<1x128x16xf32, #tpu.memory_space<vmem>> -> memref<128x16xf32, #tpu.memory_space<vmem>>
      %dma_wait3A_147 = arith.constant 0 : i32
      %dma_wait3A_148 = tpu.memref_slice %arg5[%dma_wait3A, %dma_wait3A_147] : memref<8x128xi32, #tpu.memory_space<vmem>> -> memref<1x128xi32, #tpu.memory_space<vmem>>
      %dma_wait3A_149 = tpu.memref_squeeze %dma_wait3A_148 : memref<1x128xi32, #tpu.memory_space<vmem>> -> memref<128xi32, #tpu.memory_space<vmem>>
      %dma_wait3A_150 = arith.constant 0 : i32
      %dma_wait3A_151 = arith.constant 0 : i32
      %dma_wait3A_152 = tpu.memref_slice %arg2[%dma_wait3A_150, %dma_wait3A_151] : memref<16384x16xf32, #tpu.memory_space<hbm>> -> memref<16384x16xf32, #tpu.memory_space<hbm>>
      tpu.wait_indirect_dma semaphore(%arg9 : memref<!tpu.dma_semaphore, #tpu.memory_space<semaphore_mem>>) src(%dma_wait3A_152 : memref<16384x16xf32, #tpu.memory_space<hbm>>) dst(%dma_wait3A_146 : memref<128x16xf32, #tpu.memory_space<vmem>>)
      %dma_wait3A_153 = arith.constant 1 : i32
      %dma_wait3A_154 = arith.constant 1 : i32
      %dma_wait3A_155 = arith.constant 0 : i32
      %dma_wait3A_156 = arith.constant 0 : i32
      %dma_wait3A_157 = tpu.memref_slice %arg7[%dma_wait3A_154, %dma_wait3A_155, %dma_wait3A_156] : memref<8x128x16xf32, #tpu.memory_space<vmem>> -> memref<1x128x16xf32, #tpu.memory_space<vmem>>
      %dma_wait3A_158 = tpu.memref_squeeze %dma_wait3A_157 : memref<1x128x16xf32, #tpu.memory_space<vmem>> -> memref<128x16xf32, #tpu.memory_space<vmem>>
      %dma_wait3A_159 = arith.constant 0 : i32
      %dma_wait3A_160 = tpu.memref_slice %arg5[%dma_wait3A_153, %dma_wait3A_159] : memref<8x128xi32, #tpu.memory_space<vmem>> -> memref<1x128xi32, #tpu.memory_space<vmem>>
      %dma_wait3A_161 = tpu.memref_squeeze %dma_wait3A_160 : memref<1x128xi32, #tpu.memory_space<vmem>> -> memref<128xi32, #tpu.memory_space<vmem>>
      %dma_wait3A_162 = arith.constant 0 : i32
      %dma_wait3A_163 = arith.constant 0 : i32
      %dma_wait3A_164 = tpu.memref_slice %arg2[%dma_wait3A_162, %dma_wait3A_163] : memref<16384x16xf32, #tpu.memory_space<hbm>> -> memref<16384x16xf32, #tpu.memory_space<hbm>>
      tpu.wait_indirect_dma semaphore(%arg9 : memref<!tpu.dma_semaphore, #tpu.memory_space<semaphore_mem>>) src(%dma_wait3A_164 : memref<16384x16xf32, #tpu.memory_space<hbm>>) dst(%dma_wait3A_158 : memref<128x16xf32, #tpu.memory_space<vmem>>)
      %dma_wait3A_165 = arith.constant 2 : i32
      %dma_wait3A_166 = arith.constant 2 : i32
      %dma_wait3A_167 = arith.constant 0 : i32
      %dma_wait3A_168 = arith.constant 0 : i32
      %dma_wait3A_169 = tpu.memref_slice %arg7[%dma_wait3A_166, %dma_wait3A_167, %dma_wait3A_168] : memref<8x128x16xf32, #tpu.memory_space<vmem>> -> memref<1x128x16xf32, #tpu.memory_space<vmem>>
      %dma_wait3A_170 = tpu.memref_squeeze %dma_wait3A_169 : memref<1x128x16xf32, #tpu.memory_space<vmem>> -> memref<128x16xf32, #tpu.memory_space<vmem>>
      %dma_wait3A_171 = arith.constant 0 : i32
      %dma_wait3A_172 = tpu.memref_slice %arg5[%dma_wait3A_165, %dma_wait3A_171] : memref<8x128xi32, #tpu.memory_space<vmem>> -> memref<1x128xi32, #tpu.memory_space<vmem>>
      %dma_wait3A_173 = tpu.memref_squeeze %dma_wait3A_172 : memref<1x128xi32, #tpu.memory_space<vmem>> -> memref<128xi32, #tpu.memory_space<vmem>>
      %dma_wait3A_174 = arith.constant 0 : i32
      %dma_wait3A_175 = arith.constant 0 : i32
      %dma_wait3A_176 = tpu.memref_slice %arg2[%dma_wait3A_174, %dma_wait3A_175] : memref<16384x16xf32, #tpu.memory_space<hbm>> -> memref<16384x16xf32, #tpu.memory_space<hbm>>
      tpu.wait_indirect_dma semaphore(%arg9 : memref<!tpu.dma_semaphore, #tpu.memory_space<semaphore_mem>>) src(%dma_wait3A_176 : memref<16384x16xf32, #tpu.memory_space<hbm>>) dst(%dma_wait3A_170 : memref<128x16xf32, #tpu.memory_space<vmem>>)
      %dma_wait3A_177 = arith.constant 3 : i32
      %dma_wait3A_178 = arith.constant 3 : i32
      %dma_wait3A_179 = arith.constant 0 : i32
      %dma_wait3A_180 = arith.constant 0 : i32
      %dma_wait3A_181 = tpu.memref_slice %arg7[%dma_wait3A_178, %dma_wait3A_179, %dma_wait3A_180] : memref<8x128x16xf32, #tpu.memory_space<vmem>> -> memref<1x128x16xf32, #tpu.memory_space<vmem>>
      %dma_wait3A_182 = tpu.memref_squeeze %dma_wait3A_181 : memref<1x128x16xf32, #tpu.memory_space<vmem>> -> memref<128x16xf32, #tpu.memory_space<vmem>>
      %dma_wait3A_183 = arith.constant 0 : i32
      %dma_wait3A_184 = tpu.memref_slice %arg5[%dma_wait3A_177, %dma_wait3A_183] : memref<8x128xi32, #tpu.memory_space<vmem>> -> memref<1x128xi32, #tpu.memory_space<vmem>>
      %dma_wait3A_185 = tpu.memref_squeeze %dma_wait3A_184 : memref<1x128xi32, #tpu.memory_space<vmem>> -> memref<128xi32, #tpu.memory_space<vmem>>
      %dma_wait3A_186 = arith.constant 0 : i32
      %dma_wait3A_187 = arith.constant 0 : i32
      %dma_wait3A_188 = tpu.memref_slice %arg2[%dma_wait3A_186, %dma_wait3A_187] : memref<16384x16xf32, #tpu.memory_space<hbm>> -> memref<16384x16xf32, #tpu.memory_space<hbm>>
      tpu.wait_indirect_dma semaphore(%arg9 : memref<!tpu.dma_semaphore, #tpu.memory_space<semaphore_mem>>) src(%dma_wait3A_188 : memref<16384x16xf32, #tpu.memory_space<hbm>>) dst(%dma_wait3A_182 : memref<128x16xf32, #tpu.memory_space<vmem>>)
      %dma_wait3A_189 = arith.constant 4 : i32
      %dma_wait3A_190 = arith.constant 4 : i32
      %dma_wait3A_191 = arith.constant 0 : i32
      %dma_wait3A_192 = arith.constant 0 : i32
      %dma_wait3A_193 = tpu.memref_slice %arg7[%dma_wait3A_190, %dma_wait3A_191, %dma_wait3A_192] : memref<8x128x16xf32, #tpu.memory_space<vmem>> -> memref<1x128x16xf32, #tpu.memory_space<vmem>>
      %dma_wait3A_194 = tpu.memref_squeeze %dma_wait3A_193 : memref<1x128x16xf32, #tpu.memory_space<vmem>> -> memref<128x16xf32, #tpu.memory_space<vmem>>
      %dma_wait3A_195 = arith.constant 0 : i32
      %dma_wait3A_196 = tpu.memref_slice %arg5[%dma_wait3A_189, %dma_wait3A_195] : memref<8x128xi32, #tpu.memory_space<vmem>> -> memref<1x128xi32, #tpu.memory_space<vmem>>
      %dma_wait3A_197 = tpu.memref_squeeze %dma_wait3A_196 : memref<1x128xi32, #tpu.memory_space<vmem>> -> memref<128xi32, #tpu.memory_space<vmem>>
      %dma_wait3A_198 = arith.constant 0 : i32
      %dma_wait3A_199 = arith.constant 0 : i32
      %dma_wait3A_200 = tpu.memref_slice %arg2[%dma_wait3A_198, %dma_wait3A_199] : memref<16384x16xf32, #tpu.memory_space<hbm>> -> memref<16384x16xf32, #tpu.memory_space<hbm>>
      tpu.wait_indirect_dma semaphore(%arg9 : memref<!tpu.dma_semaphore, #tpu.memory_space<semaphore_mem>>) src(%dma_wait3A_200 : memref<16384x16xf32, #tpu.memory_space<hbm>>) dst(%dma_wait3A_194 : memref<128x16xf32, #tpu.memory_space<vmem>>)
      %dma_wait3A_201 = arith.constant 5 : i32
      %dma_wait3A_202 = arith.constant 5 : i32
      %dma_wait3A_203 = arith.constant 0 : i32
      %dma_wait3A_204 = arith.constant 0 : i32
      %dma_wait3A_205 = tpu.memref_slice %arg7[%dma_wait3A_202, %dma_wait3A_203, %dma_wait3A_204] : memref<8x128x16xf32, #tpu.memory_space<vmem>> -> memref<1x128x16xf32, #tpu.memory_space<vmem>>
      %dma_wait3A_206 = tpu.memref_squeeze %dma_wait3A_205 : memref<1x128x16xf32, #tpu.memory_space<vmem>> -> memref<128x16xf32, #tpu.memory_space<vmem>>
      %dma_wait3A_207 = arith.constant 0 : i32
      %dma_wait3A_208 = tpu.memref_slice %arg5[%dma_wait3A_201, %dma_wait3A_207] : memref<8x128xi32, #tpu.memory_space<vmem>> -> memref<1x128xi32, #tpu.memory_space<vmem>>
      %dma_wait3A_209 = tpu.memref_squeeze %dma_wait3A_208 : memref<1x128xi32, #tpu.memory_space<vmem>> -> memref<128xi32, #tpu.memory_space<vmem>>
      %dma_wait3A_210 = arith.constant 0 : i32
      %dma_wait3A_211 = arith.constant 0 : i32
      %dma_wait3A_212 = tpu.memref_slice %arg2[%dma_wait3A_210, %dma_wait3A_211] : memref<16384x16xf32, #tpu.memory_space<hbm>> -> memref<16384x16xf32, #tpu.memory_space<hbm>>
      tpu.wait_indirect_dma semaphore(%arg9 : memref<!tpu.dma_semaphore, #tpu.memory_space<semaphore_mem>>) src(%dma_wait3A_212 : memref<16384x16xf32, #tpu.memory_space<hbm>>) dst(%dma_wait3A_206 : memref<128x16xf32, #tpu.memory_space<vmem>>)
      %dma_wait3A_213 = arith.constant 6 : i32
      %dma_wait3A_214 = arith.constant 6 : i32
      %dma_wait3A_215 = arith.constant 0 : i32
      %dma_wait3A_216 = arith.constant 0 : i32
      %dma_wait3A_217 = tpu.memref_slice %arg7[%dma_wait3A_214, %dma_wait3A_215, %dma_wait3A_216] : memref<8x128x16xf32, #tpu.memory_space<vmem>> -> memref<1x128x16xf32, #tpu.memory_space<vmem>>
      %dma_wait3A_218 = tpu.memref_squeeze %dma_wait3A_217 : memref<1x128x16xf32, #tpu.memory_space<vmem>> -> memref<128x16xf32, #tpu.memory_space<vmem>>
      %dma_wait3A_219 = arith.constant 0 : i32
      %dma_wait3A_220 = tpu.memref_slice %arg5[%dma_wait3A_213, %dma_wait3A_219] : memref<8x128xi32, #tpu.memory_space<vmem>> -> memref<1x128xi32, #tpu.memory_space<vmem>>
      %dma_wait3A_221 = tpu.memref_squeeze %dma_wait3A_220 : memref<1x128xi32, #tpu.memory_space<vmem>> -> memref<128xi32, #tpu.memory_space<vmem>>
      %dma_wait3A_222 = arith.constant 0 : i32
      %dma_wait3A_223 = arith.constant 0 : i32
      %dma_wait3A_224 = tpu.memref_slice %arg2[%dma_wait3A_222, %dma_wait3A_223] : memref<16384x16xf32, #tpu.memory_space<hbm>> -> memref<16384x16xf32, #tpu.memory_space<hbm>>
      tpu.wait_indirect_dma semaphore(%arg9 : memref<!tpu.dma_semaphore, #tpu.memory_space<semaphore_mem>>) src(%dma_wait3A_224 : memref<16384x16xf32, #tpu.memory_space<hbm>>) dst(%dma_wait3A_218 : memref<128x16xf32, #tpu.memory_space<vmem>>)
      %dma_wait3A_225 = arith.constant 7 : i32
      %dma_wait3A_226 = arith.constant 7 : i32
      %dma_wait3A_227 = arith.constant 0 : i32
      %dma_wait3A_228 = arith.constant 0 : i32
      %dma_wait3A_229 = tpu.memref_slice %arg7[%dma_wait3A_226, %dma_wait3A_227, %dma_wait3A_228] : memref<8x128x16xf32, #tpu.memory_space<vmem>> -> memref<1x128x16xf32, #tpu.memory_space<vmem>>
      %dma_wait3A_230 = tpu.memref_squeeze %dma_wait3A_229 : memref<1x128x16xf32, #tpu.memory_space<vmem>> -> memref<128x16xf32, #tpu.memory_space<vmem>>
      %dma_wait3A_231 = arith.constant 0 : i32
      %dma_wait3A_232 = tpu.memref_slice %arg5[%dma_wait3A_225, %dma_wait3A_231] : memref<8x128xi32, #tpu.memory_space<vmem>> -> memref<1x128xi32, #tpu.memory_space<vmem>>
      %dma_wait3A_233 = tpu.memref_squeeze %dma_wait3A_232 : memref<1x128xi32, #tpu.memory_space<vmem>> -> memref<128xi32, #tpu.memory_space<vmem>>
      %dma_wait3A_234 = arith.constant 0 : i32
      %dma_wait3A_235 = arith.constant 0 : i32
      %dma_wait3A_236 = tpu.memref_slice %arg2[%dma_wait3A_234, %dma_wait3A_235] : memref<16384x16xf32, #tpu.memory_space<hbm>> -> memref<16384x16xf32, #tpu.memory_space<hbm>>
      tpu.wait_indirect_dma semaphore(%arg9 : memref<!tpu.dma_semaphore, #tpu.memory_space<semaphore_mem>>) src(%dma_wait3A_236 : memref<16384x16xf32, #tpu.memory_space<hbm>>) dst(%dma_wait3A_230 : memref<128x16xf32, #tpu.memory_space<vmem>>)
      %scan3A_237 = arith.constant 0 : i32
      %scan3A_238 = arith.constant 128 : i32
      %scan3A_239 = arith.addi %scan3A_237, %scan3A_238 : i32
      %scan3A_240 = arith.constant 1 : i32
      %scan3A_241 = scf.for %scan3A_243 = %scan3A_237 to %scan3A_239 step %scan3A_240 iter_args(%scan3A_244 = %scan3A_11) -> (vector<16xf32>)  : i32 {
        %get3A = arith.index_cast %scan3A_243 : i32 to index
        %get3A_245 = arith.constant 0 : index
        %get3A_246 = tpu.vector_load %arg6[%get3A, %get3A_245] {strides = array<i32>} : memref<128x16xf32, #tpu.memory_space<vmem>>, vector<1x16xf32>,
        %get3A_247 = vector.shape_cast %get3A_246 : vector<1x16xf32> to vector<16xf32>
        %get3A_248 = arith.constant 0 : i32
        %get3A_249 = arith.index_cast %get3A_248 : i32 to index
        %get3A_250 = arith.index_cast %scan3A_243 : i32 to index
        %get3A_251 = arith.constant 0 : index
        %get3A_252 = tpu.vector_load %arg7[%get3A_249, %get3A_250, %get3A_251] {strides = array<i32>} : memref<8x128x16xf32, #tpu.memory_space<vmem>>, vector<1x1x16xf32>,
        %get3A_253 = vector.shape_cast %get3A_252 : vector<1x1x16xf32> to vector<16xf32>
        %sub3A_254 = arith.subf %get3A_247, %get3A_253 : vector<16xf32>
        %abs3A = math.absf %sub3A_254 : vector<16xf32>
        %add3A_255 = arith.addf %scan3A_244, %abs3A : vector<16xf32>
        %get3A_256 = arith.constant 1 : i32
        %get3A_257 = arith.index_cast %get3A_256 : i32 to index
        %get3A_258 = arith.index_cast %scan3A_243 : i32 to index
        %get3A_259 = arith.constant 0 : index
        %get3A_260 = tpu.vector_load %arg7[%get3A_257, %get3A_258, %get3A_259] {strides = array<i32>} : memref<8x128x16xf32, #tpu.memory_space<vmem>>, vector<1x1x16xf32>,
        %get3A_261 = vector.shape_cast %get3A_260 : vector<1x1x16xf32> to vector<16xf32>
        %sub3A_262 = arith.subf %get3A_247, %get3A_261 : vector<16xf32>
        %abs3A_263 = math.absf %sub3A_262 : vector<16xf32>
        %add3A_264 = arith.addf %add3A_255, %abs3A_263 : vector<16xf32>
        %get3A_265 = arith.constant 2 : i32
        %get3A_266 = arith.index_cast %get3A_265 : i32 to index
        %get3A_267 = arith.index_cast %scan3A_243 : i32 to index
        %get3A_268 = arith.constant 0 : index
        %get3A_269 = tpu.vector_load %arg7[%get3A_266, %get3A_267, %get3A_268] {strides = array<i32>} : memref<8x128x16xf32, #tpu.memory_space<vmem>>, vector<1x1x16xf32>,
        %get3A_270 = vector.shape_cast %get3A_269 : vector<1x1x16xf32> to vector<16xf32>
        %sub3A_271 = arith.subf %get3A_247, %get3A_270 : vector<16xf32>
        %abs3A_272 = math.absf %sub3A_271 : vector<16xf32>
        %add3A_273 = arith.addf %add3A_264, %abs3A_272 : vector<16xf32>
        %get3A_274 = arith.constant 3 : i32
        %get3A_275 = arith.index_cast %get3A_274 : i32 to index
        %get3A_276 = arith.index_cast %scan3A_243 : i32 to index
        %get3A_277 = arith.constant 0 : index
        %get3A_278 = tpu.vector_load %arg7[%get3A_275, %get3A_276, %get3A_277] {strides = array<i32>} : memref<8x128x16xf32, #tpu.memory_space<vmem>>, vector<1x1x16xf32>,
        %get3A_279 = vector.shape_cast %get3A_278 : vector<1x1x16xf32> to vector<16xf32>
        %sub3A_280 = arith.subf %get3A_247, %get3A_279 : vector<16xf32>
        %abs3A_281 = math.absf %sub3A_280 : vector<16xf32>
        %add3A_282 = arith.addf %add3A_273, %abs3A_281 : vector<16xf32>
        %get3A_283 = arith.constant 4 : i32
        %get3A_284 = arith.index_cast %get3A_283 : i32 to index
        %get3A_285 = arith.index_cast %scan3A_243 : i32 to index
        %get3A_286 = arith.constant 0 : index
        %get3A_287 = tpu.vector_load %arg7[%get3A_284, %get3A_285, %get3A_286] {strides = array<i32>} : memref<8x128x16xf32, #tpu.memory_space<vmem>>, vector<1x1x16xf32>,
        %get3A_288 = vector.shape_cast %get3A_287 : vector<1x1x16xf32> to vector<16xf32>
        %sub3A_289 = arith.subf %get3A_247, %get3A_288 : vector<16xf32>
        %abs3A_290 = math.absf %sub3A_289 : vector<16xf32>
        %add3A_291 = arith.addf %add3A_282, %abs3A_290 : vector<16xf32>
        %get3A_292 = arith.constant 5 : i32
        %get3A_293 = arith.index_cast %get3A_292 : i32 to index
        %get3A_294 = arith.index_cast %scan3A_243 : i32 to index
        %get3A_295 = arith.constant 0 : index
        %get3A_296 = tpu.vector_load %arg7[%get3A_293, %get3A_294, %get3A_295] {strides = array<i32>} : memref<8x128x16xf32, #tpu.memory_space<vmem>>, vector<1x1x16xf32>,
        %get3A_297 = vector.shape_cast %get3A_296 : vector<1x1x16xf32> to vector<16xf32>
        %sub3A_298 = arith.subf %get3A_247, %get3A_297 : vector<16xf32>
        %abs3A_299 = math.absf %sub3A_298 : vector<16xf32>
        %add3A_300 = arith.addf %add3A_291, %abs3A_299 : vector<16xf32>
        %get3A_301 = arith.constant 6 : i32
        %get3A_302 = arith.index_cast %get3A_301 : i32 to index
        %get3A_303 = arith.index_cast %scan3A_243 : i32 to index
        %get3A_304 = arith.constant 0 : index
        %get3A_305 = tpu.vector_load %arg7[%get3A_302, %get3A_303, %get3A_304] {strides = array<i32>} : memref<8x128x16xf32, #tpu.memory_space<vmem>>, vector<1x1x16xf32>,
        %get3A_306 = vector.shape_cast %get3A_305 : vector<1x1x16xf32> to vector<16xf32>
        %sub3A_307 = arith.subf %get3A_247, %get3A_306 : vector<16xf32>
        %abs3A_308 = math.absf %sub3A_307 : vector<16xf32>
        %add3A_309 = arith.addf %add3A_300, %abs3A_308 : vector<16xf32>
        %get3A_310 = arith.constant 7 : i32
        %get3A_311 = arith.index_cast %get3A_310 : i32 to index
        %get3A_312 = arith.index_cast %scan3A_243 : i32 to index
        %get3A_313 = arith.constant 0 : index
        %get3A_314 = tpu.vector_load %arg7[%get3A_311, %get3A_312, %get3A_313] {strides = array<i32>} : memref<8x128x16xf32, #tpu.memory_space<vmem>>, vector<1x1x16xf32>,
        %get3A_315 = vector.shape_cast %get3A_314 : vector<1x1x16xf32> to vector<16xf32>
        %sub3A_316 = arith.subf %get3A_247, %get3A_315 : vector<16xf32>
        %abs3A_317 = math.absf %sub3A_316 : vector<16xf32>
        %add3A_318 = arith.addf %add3A_309, %abs3A_317 : vector<16xf32>
        scf.yield %add3A_318 : vector<16xf32>
      }
      %scan3A_242 = arith.constant 128 : i32
      scf.yield %scan3A_241 : vector<16xf32>
    }
    %scan3A_6 = arith.constant 4 : i32
    %swap3A = arith.constant 0 : index
    %swap3A_7 = tpu.vector_load %arg8[%swap3A] {strides = array<i32>} : memref<16xf32, #tpu.memory_space<vmem>>, vector<16xf32>,
    %swap3A_8 = vector.shape_cast %swap3A_7 : vector<16xf32> to vector<16xf32>
    %swap3A_9 = vector.shape_cast %scan3A_5 : vector<16xf32> to vector<16xf32>
    tpu.vector_store %arg8[%swap3A], %swap3A_9 {strides = array<i32>} : memref<16xf32, #tpu.memory_space<vmem>>, vector<16xf32>,
    "tpu.region"() ({
      %run_scoped3A = tpu.sem_alloc : memref<!tpu.dma_semaphore, #tpu.memory_space<semaphore_mem>>
      %dma_start3A = arith.constant 0 : i32
      %dma_start3A_10 = tpu.memref_slice %arg4[%add3A, %dma_start3A] : memref<32x16xf32, #tpu.memory_space<hbm>> -> memref<1x16xf32, #tpu.memory_space<hbm>>
      %dma_start3A_11 = tpu.memref_squeeze %dma_start3A_10 : memref<1x16xf32, #tpu.memory_space<hbm>> -> memref<16xf32, #tpu.memory_space<hbm>>
      %dma_start3A_12 = arith.constant 0 : i32
      %dma_start3A_13 = tpu.memref_slice %arg4[%add3A, %dma_start3A_12] : memref<32x16xf32, #tpu.memory_space<hbm>> -> memref<1x16xf32, #tpu.memory_space<hbm>>
      %dma_start3A_14 = tpu.memref_squeeze %dma_start3A_13 : memref<1x16xf32, #tpu.memory_space<hbm>> -> memref<16xf32, #tpu.memory_space<hbm>>
      tpu.enqueue_dma source(%arg8 : memref<16xf32, #tpu.memory_space<vmem>>) target(%dma_start3A_14 : memref<16xf32, #tpu.memory_space<hbm>>) target_semaphore(%run_scoped3A : memref<!tpu.dma_semaphore, #tpu.memory_space<semaphore_mem>>)
      %dma_wait3A = arith.constant 0 : i32
      %dma_wait3A_15 = tpu.memref_slice %arg4[%add3A, %dma_wait3A] : memref<32x16xf32, #tpu.memory_space<hbm>> -> memref<1x16xf32, #tpu.memory_space<hbm>>
      %dma_wait3A_16 = tpu.memref_squeeze %dma_wait3A_15 : memref<1x16xf32, #tpu.memory_space<hbm>> -> memref<16xf32, #tpu.memory_space<hbm>>
      %dma_wait3A_17 = arith.constant 0 : i32
      %dma_wait3A_18 = tpu.memref_slice %arg4[%add3A, %dma_wait3A_17] : memref<32x16xf32, #tpu.memory_space<hbm>> -> memref<1x16xf32, #tpu.memory_space<hbm>>
      %dma_wait3A_19 = tpu.memref_squeeze %dma_wait3A_18 : memref<1x16xf32, #tpu.memory_space<hbm>> -> memref<16xf32, #tpu.memory_space<hbm>>
      tpu.wait_dma2 semaphore(%run_scoped3A : memref<!tpu.dma_semaphore, #tpu.memory_space<semaphore_mem>>) src(%arg8 : memref<16xf32, #tpu.memory_space<vmem>>) dst(%dma_wait3A_19 : memref<16xf32, #tpu.memory_space<hbm>>)
      tpu.yield
    }) : () -> ()
    return
  }
}

module attributes {stable_mosaic.version = 14 : i64} {
  func.func @_idx_body(%arg0: i32, %arg1: i32, %arg2: memref<1x3x512xf32, #tpu.memory_space<vmem>>, %arg3: memref<1x3x4096xf32, #tpu.memory_space<vmem>>, %arg4: memref<1x4x8x128xi32, #tpu.memory_space<vmem>>, %arg5: memref<1x4096xf32, #tpu.memory_space<vmem>>, %arg6: memref<3x4096xbf16, #tpu.memory_space<vmem>>) attributes {dimension_semantics = [#tpu.dimension_semantics<arbitrary>, #tpu.dimension_semantics<arbitrary>], iteration_bounds = array<i64: 4, 8>, scalar_prefetch = 0 : i64, scratch_operands = 2 : i64, tpu.core_type = #tpu.core_type<tc>, window_params = [{transform_indices = @transform_0, window_bounds = array<i64: 1, 3, 512>}, {transform_indices = @transform_1, window_bounds = array<i64: 1, 3, 4096>}, {transform_indices = @transform_2, window_bounds = array<i64: 1, 4, 8, 128>}]} {
    %eq3A = arith.constant 0 : i32
    %eq3A_0 = arith.cmpi eq, %arg1, %eq3A : i32
    %convert_element_type3A = arith.extui %eq3A_0 : i1 to i32
    %cond3A = arith.constant 0 : i32
    %cond3A_1 = arith.cmpi ne, %convert_element_type3A, %cond3A : i32
    scf.if %cond3A_1 {
      %get3A_281 = arith.constant 0 : index
      %get3A_282 = arith.constant 0 : index
      %get3A_283 = arith.constant 0 : index
      %get3A_284 = vector.load %arg3[%get3A_281, %get3A_282, %get3A_283] : memref<1x3x4096xf32, #tpu.memory_space<vmem>>, vector<1x3x4096xf32>
      %get3A_285 = vector.shape_cast %get3A_284 : vector<1x3x4096xf32> to vector<3x4096xf32>
      %mul3A_286 = arith.mulf %get3A_285, %get3A_285 : vector<3x4096xf32>
      %reduce_sum3A_287 = arith.constant dense<0.000000e+00> : vector<4096xf32>
      %reduce_sum3A_288 = vector.multi_reduction <add>, %mul3A_286, %reduce_sum3A_287 [0] : vector<3x4096xf32> to vector<4096xf32>
      %swap3A_289 = arith.constant 0 : index
      %swap3A_290 = arith.constant 0 : index
      %swap3A_291 = vector.load %arg5[%swap3A_289, %swap3A_290] : memref<1x4096xf32, #tpu.memory_space<vmem>>, vector<1x4096xf32>
      %swap3A_292 = vector.shape_cast %swap3A_291 : vector<1x4096xf32> to vector<4096xf32>
      %swap3A_293 = vector.shape_cast %reduce_sum3A_288 : vector<4096xf32> to vector<1x4096xf32>
      tpu.vector_store %arg5[%swap3A_289, %swap3A_290], %swap3A_293 {strides = array<i32>} : memref<1x4096xf32, #tpu.memory_space<vmem>>, vector<1x4096xf32>,
      %convert_element_type3A_294 = arith.truncf %get3A_285 : vector<3x4096xf32> to vector<3x4096xbf16>
      %swap3A_295 = arith.constant 0 : index
      %swap3A_296 = arith.constant 0 : index
      %swap3A_297 = vector.load %arg6[%swap3A_295, %swap3A_296] : memref<3x4096xbf16, #tpu.memory_space<vmem>>, vector<3x4096xbf16>
      tpu.vector_store %arg6[%swap3A_295, %swap3A_296], %convert_element_type3A_294 {strides = array<i32>} : memref<3x4096xbf16, #tpu.memory_space<vmem>>, vector<3x4096xbf16>,
    } else {
    }
    %get3A = arith.constant 0 : index
    %get3A_2 = arith.constant 0 : index
    %get3A_3 = arith.constant 0 : index
    %get3A_4 = vector.load %arg2[%get3A, %get3A_2, %get3A_3] : memref<1x3x512xf32, #tpu.memory_space<vmem>>, vector<1x3x512xf32>
    %get3A_5 = vector.shape_cast %get3A_4 : vector<1x3x512xf32> to vector<3x512xf32>
    %mul3A = arith.mulf %get3A_5, %get3A_5 : vector<3x512xf32>
    %reduce_sum3A = arith.constant dense<0.000000e+00> : vector<512xf32>
    %reduce_sum3A_6 = vector.multi_reduction <add>, %mul3A, %reduce_sum3A [0] : vector<3x512xf32> to vector<512xf32>
    %convert_element_type3A_7 = arith.truncf %get3A_5 : vector<3x512xf32> to vector<3x512xbf16>
    %get3A_8 = arith.constant 0 : index
    %get3A_9 = arith.constant 0 : index
    %get3A_10 = vector.load %arg6[%get3A_8, %get3A_9] : memref<3x4096xbf16, #tpu.memory_space<vmem>>, vector<3x4096xbf16>
    %dot_general3A = arith.constant dense<0.000000e+00> : vector<512x4096xf32>
    %dot_general3A_11 = tpu.matmul %convert_element_type3A_7, %get3A_10, %dot_general3A {dimension_numbers = #tpu.dot_dimension_numbers<[0], [0], [1], [1], [0, 1, 1, 1], [], []>, transpose_lhs_hint = false} : vector<3x512xbf16>, vector<3x4096xbf16>, vector<512x4096xf32> -> vector<512x4096xf32>
    %broadcast_in_dim3A = vector.shape_cast %reduce_sum3A_6 : vector<512xf32> to vector<512x1xf32>
    %get3A_12 = arith.constant 0 : index
    %get3A_13 = arith.constant 0 : index
    %get3A_14 = vector.load %arg5[%get3A_12, %get3A_13] : memref<1x4096xf32, #tpu.memory_space<vmem>>, vector<1x4096xf32>
    %get3A_15 = vector.shape_cast %get3A_14 : vector<1x4096xf32> to vector<4096xf32>
    %broadcast_in_dim3A_16 = vector.shape_cast %get3A_15 : vector<4096xf32> to vector<1x4096xf32>
    %add3A = vector.broadcast %broadcast_in_dim3A : vector<512x1xf32> to vector<512x4096xf32>
    %add3A_17 = vector.broadcast %broadcast_in_dim3A_16 : vector<1x4096xf32> to vector<512x4096xf32>
    %add3A_18 = arith.addf %add3A, %add3A_17 : vector<512x4096xf32>
    %mul3A_19 = arith.constant 2.000000e+00 : f32
    %mul3A_20 = vector.broadcast %mul3A_19 : f32 to vector<512x4096xf32>
    %mul3A_21 = arith.mulf %mul3A_20, %dot_general3A_11 : vector<512x4096xf32>
    %sub3A = arith.subf %add3A_18, %mul3A_21 : vector<512x4096xf32>
    %iota3A = tpu.iota {dimensions = array<i32: 1>} : vector<512x4096xi32>
    %bitcast_convert_type3A = tpu.bitcast %sub3A : vector<512x4096xf32> -> vector<512x4096xi32>
    %and3A = arith.constant -4096 : i32
    %and3A_22 = vector.broadcast %and3A : i32 to vector<512x4096xi32>
    %and3A_23 = arith.andi %bitcast_convert_type3A, %and3A_22 : vector<512x4096xi32>
    %or3A = arith.ori %and3A_23, %iota3A : vector<512x4096xi32>
    %bitcast_convert_type3A_24 = tpu.bitcast %or3A : vector<512x4096xi32> -> vector<512x4096xf32>
    %slice3A = vector.extract_strided_slice %bitcast_convert_type3A_24 {offsets = [0, 0], sizes = [512, 256], strides = [1, 1]} : vector<512x4096xf32> to vector<512x256xf32>
    %slice3A_25 = vector.extract_strided_slice %bitcast_convert_type3A_24 {offsets = [0, 256], sizes = [512, 256], strides = [1, 1]} : vector<512x4096xf32> to vector<512x256xf32>
    %slice3A_26 = vector.extract_strided_slice %bitcast_convert_type3A_24 {offsets = [0, 512], sizes = [512, 256], strides = [1, 1]} : vector<512x4096xf32> to vector<512x256xf32>
    %slice3A_27 = vector.extract_strided_slice %bitcast_convert_type3A_24 {offsets = [0, 768], sizes = [512, 256], strides = [1, 1]} : vector<512x4096xf32> to vector<512x256xf32>
    %slice3A_28 = vector.extract_strided_slice %bitcast_convert_type3A_24 {offsets = [0, 1024], sizes = [512, 256], strides = [1, 1]} : vector<512x4096xf32> to vector<512x256xf32>
    %slice3A_29 = vector.extract_strided_slice %bitcast_convert_type3A_24 {offsets = [0, 1280], sizes = [512, 256], strides = [1, 1]} : vector<512x4096xf32> to vector<512x256xf32>
    %slice3A_30 = vector.extract_strided_slice %bitcast_convert_type3A_24 {offsets = [0, 1536], sizes = [512, 256], strides = [1, 1]} : vector<512x4096xf32> to vector<512x256xf32>
    %slice3A_31 = vector.extract_strided_slice %bitcast_convert_type3A_24 {offsets = [0, 1792], sizes = [512, 256], strides = [1, 1]} : vector<512x4096xf32> to vector<512x256xf32>
    %slice3A_32 = vector.extract_strided_slice %bitcast_convert_type3A_24 {offsets = [0, 2048], sizes = [512, 256], strides = [1, 1]} : vector<512x4096xf32> to vector<512x256xf32>
    %slice3A_33 = vector.extract_strided_slice %bitcast_convert_type3A_24 {offsets = [0, 2304], sizes = [512, 256], strides = [1, 1]} : vector<512x4096xf32> to vector<512x256xf32>
    %slice3A_34 = vector.extract_strided_slice %bitcast_convert_type3A_24 {offsets = [0, 2560], sizes = [512, 256], strides = [1, 1]} : vector<512x4096xf32> to vector<512x256xf32>
    %slice3A_35 = vector.extract_strided_slice %bitcast_convert_type3A_24 {offsets = [0, 2816], sizes = [512, 256], strides = [1, 1]} : vector<512x4096xf32> to vector<512x256xf32>
    %slice3A_36 = vector.extract_strided_slice %bitcast_convert_type3A_24 {offsets = [0, 3072], sizes = [512, 256], strides = [1, 1]} : vector<512x4096xf32> to vector<512x256xf32>
    %slice3A_37 = vector.extract_strided_slice %bitcast_convert_type3A_24 {offsets = [0, 3328], sizes = [512, 256], strides = [1, 1]} : vector<512x4096xf32> to vector<512x256xf32>
    %slice3A_38 = vector.extract_strided_slice %bitcast_convert_type3A_24 {offsets = [0, 3584], sizes = [512, 256], strides = [1, 1]} : vector<512x4096xf32> to vector<512x256xf32>
    %slice3A_39 = vector.extract_strided_slice %bitcast_convert_type3A_24 {offsets = [0, 3840], sizes = [512, 256], strides = [1, 1]} : vector<512x4096xf32> to vector<512x256xf32>
    %min3A = arith.minimumf %slice3A, %slice3A_25 : vector<512x256xf32>
    %max3A = arith.maximumf %slice3A, %slice3A_25 : vector<512x256xf32>
    %min3A_40 = arith.minimumf %slice3A_26, %slice3A_27 : vector<512x256xf32>
    %max3A_41 = arith.maximumf %slice3A_26, %slice3A_27 : vector<512x256xf32>
    %min3A_42 = arith.minimumf %min3A, %min3A_40 : vector<512x256xf32>
    %max3A_43 = arith.maximumf %min3A, %min3A_40 : vector<512x256xf32>
    %min3A_44 = arith.minimumf %max3A, %max3A_41 : vector<512x256xf32>
    %min3A_45 = arith.minimumf %max3A_43, %min3A_44 : vector<512x256xf32>
    %max3A_46 = arith.maximumf %max3A_43, %min3A_44 : vector<512x256xf32>
    %min3A_47 = arith.minimumf %slice3A_28, %slice3A_29 : vector<512x256xf32>
    %max3A_48 = arith.maximumf %slice3A_28, %slice3A_29 : vector<512x256xf32>
    %min3A_49 = arith.minimumf %slice3A_30, %slice3A_31 : vector<512x256xf32>
    %max3A_50 = arith.maximumf %slice3A_30, %slice3A_31 : vector<512x256xf32>
    %min3A_51 = arith.minimumf %min3A_47, %min3A_49 : vector<512x256xf32>
    %max3A_52 = arith.maximumf %min3A_47, %min3A_49 : vector<512x256xf32>
    %min3A_53 = arith.minimumf %max3A_48, %max3A_50 : vector<512x256xf32>
    %min3A_54 = arith.minimumf %max3A_52, %min3A_53 : vector<512x256xf32>
    %max3A_55 = arith.maximumf %max3A_52, %min3A_53 : vector<512x256xf32>
    %min3A_56 = arith.minimumf %min3A_42, %min3A_51 : vector<512x256xf32>
    %max3A_57 = arith.maximumf %min3A_42, %min3A_51 : vector<512x256xf32>
    %min3A_58 = arith.minimumf %min3A_45, %min3A_54 : vector<512x256xf32>
    %min3A_59 = arith.minimumf %max3A_57, %min3A_58 : vector<512x256xf32>
    %max3A_60 = arith.maximumf %max3A_57, %min3A_58 : vector<512x256xf32>
    %min3A_61 = arith.minimumf %max3A_46, %max3A_55 : vector<512x256xf32>
    %min3A_62 = arith.minimumf %max3A_60, %min3A_61 : vector<512x256xf32>
    %min3A_63 = arith.minimumf %slice3A_32, %slice3A_33 : vector<512x256xf32>
    %max3A_64 = arith.maximumf %slice3A_32, %slice3A_33 : vector<512x256xf32>
    %min3A_65 = arith.minimumf %slice3A_34, %slice3A_35 : vector<512x256xf32>
    %max3A_66 = arith.maximumf %slice3A_34, %slice3A_35 : vector<512x256xf32>
    %min3A_67 = arith.minimumf %min3A_63, %min3A_65 : vector<512x256xf32>
    %max3A_68 = arith.maximumf %min3A_63, %min3A_65 : vector<512x256xf32>
    %min3A_69 = arith.minimumf %max3A_64, %max3A_66 : vector<512x256xf32>
    %min3A_70 = arith.minimumf %max3A_68, %min3A_69 : vector<512x256xf32>
    %max3A_71 = arith.maximumf %max3A_68, %min3A_69 : vector<512x256xf32>
    %min3A_72 = arith.minimumf %slice3A_36, %slice3A_37 : vector<512x256xf32>
    %max3A_73 = arith.maximumf %slice3A_36, %slice3A_37 : vector<512x256xf32>
    %min3A_74 = arith.minimumf %slice3A_38, %slice3A_39 : vector<512x256xf32>
    %max3A_75 = arith.maximumf %slice3A_38, %slice3A_39 : vector<512x256xf32>
    %min3A_76 = arith.minimumf %min3A_72, %min3A_74 : vector<512x256xf32>
    %max3A_77 = arith.maximumf %min3A_72, %min3A_74 : vector<512x256xf32>
    %min3A_78 = arith.minimumf %max3A_73, %max3A_75 : vector<512x256xf32>
    %min3A_79 = arith.minimumf %max3A_77, %min3A_78 : vector<512x256xf32>
    %max3A_80 = arith.maximumf %max3A_77, %min3A_78 : vector<512x256xf32>
    %min3A_81 = arith.minimumf %min3A_67, %min3A_76 : vector<512x256xf32>
    %max3A_82 = arith.maximumf %min3A_67, %min3A_76 : vector<512x256xf32>
    %min3A_83 = arith.minimumf %min3A_70, %min3A_79 : vector<512x256xf32>
    %min3A_84 = arith.minimumf %max3A_82, %min3A_83 : vector<512x256xf32>
    %max3A_85 = arith.maximumf %max3A_82, %min3A_83 : vector<512x256xf32>
    %min3A_86 = arith.minimumf %max3A_71, %max3A_80 : vector<512x256xf32>
    %min3A_87 = arith.minimumf %max3A_85, %min3A_86 : vector<512x256xf32>
    %min3A_88 = arith.minimumf %min3A_56, %min3A_81 : vector<512x256xf32>
    %max3A_89 = arith.maximumf %min3A_56, %min3A_81 : vector<512x256xf32>
    %min3A_90 = arith.minimumf %min3A_59, %min3A_84 : vector<512x256xf32>
    %min3A_91 = arith.minimumf %max3A_89, %min3A_90 : vector<512x256xf32>
    %max3A_92 = arith.maximumf %max3A_89, %min3A_90 : vector<512x256xf32>
    %min3A_93 = arith.minimumf %min3A_62, %min3A_87 : vector<512x256xf32>
    %min3A_94 = arith.minimumf %max3A_92, %min3A_93 : vector<512x256xf32>
    %reduce_min3A = arith.constant dense<0x7F800000> : vector<512xf32>
    %reduce_min3A_95 = vector.multi_reduction <minimumf>, %min3A_88, %reduce_min3A [1] : vector<512x256xf32> to vector<512xf32>
    %bitcast_convert_type3A_96 = tpu.bitcast %reduce_min3A_95 : vector<512xf32> -> vector<512xi32>
    %and3A_97 = arith.constant 4095 : i32
    %and3A_98 = vector.broadcast %and3A_97 : i32 to vector<512xi32>
    %and3A_99 = arith.andi %bitcast_convert_type3A_96, %and3A_98 : vector<512xi32>
    %and3A_100 = arith.constant -4096 : i32
    %and3A_101 = vector.broadcast %and3A_100 : i32 to vector<512xi32>
    %and3A_102 = arith.andi %bitcast_convert_type3A_96, %and3A_101 : vector<512xi32>
    %bitcast_convert_type3A_103 = tpu.bitcast %and3A_102 : vector<512xi32> -> vector<512xf32>
    %le3A = arith.constant 1.000000e-01 : f32
    %le3A_104 = vector.broadcast %le3A : f32 to vector<512xf32>
    %le3A_105 = arith.cmpf ole, %bitcast_convert_type3A_103, %le3A_104 : vector<512xf32>
    %select_n3A = arith.select %le3A_105, %and3A_99, %and3A_99 : vector<512xi1>, vector<512xi32>
    %broadcast_in_dim3A_106 = vector.shape_cast %reduce_min3A_95 : vector<512xf32> to vector<512x1xf32>
    %eq3A_107 = vector.broadcast %broadcast_in_dim3A_106 : vector<512x1xf32> to vector<512x256xf32>
    %eq3A_108 = arith.cmpf oeq, %min3A_88, %eq3A_107 : vector<512x256xf32>
    %select_n3A_109 = arith.select %eq3A_108, %min3A_91, %min3A_88 : vector<512x256xi1>, vector<512x256xf32>
    %select_n3A_110 = arith.select %eq3A_108, %min3A_94, %min3A_91 : vector<512x256xi1>, vector<512x256xf32>
    %reduce_min3A_111 = arith.constant dense<0x7F800000> : vector<512xf32>
    %reduce_min3A_112 = vector.multi_reduction <minimumf>, %select_n3A_109, %reduce_min3A_111 [1] : vector<512x256xf32> to vector<512xf32>
    %bitcast_convert_type3A_113 = tpu.bitcast %reduce_min3A_112 : vector<512xf32> -> vector<512xi32>
    %and3A_114 = arith.constant 4095 : i32
    %and3A_115 = vector.broadcast %and3A_114 : i32 to vector<512xi32>
    %and3A_116 = arith.andi %bitcast_convert_type3A_113, %and3A_115 : vector<512xi32>
    %and3A_117 = arith.constant -4096 : i32
    %and3A_118 = vector.broadcast %and3A_117 : i32 to vector<512xi32>
    %and3A_119 = arith.andi %bitcast_convert_type3A_113, %and3A_118 : vector<512xi32>
    %bitcast_convert_type3A_120 = tpu.bitcast %and3A_119 : vector<512xi32> -> vector<512xf32>
    %le3A_121 = arith.constant 1.000000e-01 : f32
    %le3A_122 = vector.broadcast %le3A_121 : f32 to vector<512xf32>
    %le3A_123 = arith.cmpf ole, %bitcast_convert_type3A_120, %le3A_122 : vector<512xf32>
    %select_n3A_124 = arith.select %le3A_123, %and3A_116, %and3A_99 : vector<512xi1>, vector<512xi32>
    %broadcast_in_dim3A_125 = vector.shape_cast %reduce_min3A_112 : vector<512xf32> to vector<512x1xf32>
    %eq3A_126 = vector.broadcast %broadcast_in_dim3A_125 : vector<512x1xf32> to vector<512x256xf32>
    %eq3A_127 = arith.cmpf oeq, %select_n3A_109, %eq3A_126 : vector<512x256xf32>
    %select_n3A_128 = arith.select %eq3A_127, %select_n3A_110, %select_n3A_109 : vector<512x256xi1>, vector<512x256xf32>
    %select_n3A_129 = arith.select %eq3A_127, %min3A_94, %select_n3A_110 : vector<512x256xi1>, vector<512x256xf32>
    %reduce_min3A_130 = arith.constant dense<0x7F800000> : vector<512xf32>
    %reduce_min3A_131 = vector.multi_reduction <minimumf>, %select_n3A_128, %reduce_min3A_130 [1] : vector<512x256xf32> to vector<512xf32>
    %bitcast_convert_type3A_132 = tpu.bitcast %reduce_min3A_131 : vector<512xf32> -> vector<512xi32>
    %and3A_133 = arith.constant 4095 : i32
    %and3A_134 = vector.broadcast %and3A_133 : i32 to vector<512xi32>
    %and3A_135 = arith.andi %bitcast_convert_type3A_132, %and3A_134 : vector<512xi32>
    %and3A_136 = arith.constant -4096 : i32
    %and3A_137 = vector.broadcast %and3A_136 : i32 to vector<512xi32>
    %and3A_138 = arith.andi %bitcast_convert_type3A_132, %and3A_137 : vector<512xi32>
    %bitcast_convert_type3A_139 = tpu.bitcast %and3A_138 : vector<512xi32> -> vector<512xf32>
    %le3A_140 = arith.constant 1.000000e-01 : f32
    %le3A_141 = vector.broadcast %le3A_140 : f32 to vector<512xf32>
    %le3A_142 = arith.cmpf ole, %bitcast_convert_type3A_139, %le3A_141 : vector<512xf32>
    %select_n3A_143 = arith.select %le3A_142, %and3A_135, %and3A_99 : vector<512xi1>, vector<512xi32>
    %broadcast_in_dim3A_144 = vector.shape_cast %reduce_min3A_131 : vector<512xf32> to vector<512x1xf32>
    %eq3A_145 = vector.broadcast %broadcast_in_dim3A_144 : vector<512x1xf32> to vector<512x256xf32>
    %eq3A_146 = arith.cmpf oeq, %select_n3A_128, %eq3A_145 : vector<512x256xf32>
    %select_n3A_147 = arith.select %eq3A_146, %select_n3A_129, %select_n3A_128 : vector<512x256xi1>, vector<512x256xf32>
    %select_n3A_148 = arith.select %eq3A_146, %min3A_94, %select_n3A_129 : vector<512x256xi1>, vector<512x256xf32>
    %reduce_min3A_149 = arith.constant dense<0x7F800000> : vector<512xf32>
    %reduce_min3A_150 = vector.multi_reduction <minimumf>, %select_n3A_147, %reduce_min3A_149 [1] : vector<512x256xf32> to vector<512xf32>
    %bitcast_convert_type3A_151 = tpu.bitcast %reduce_min3A_150 : vector<512xf32> -> vector<512xi32>
    %and3A_152 = arith.constant 4095 : i32
    %and3A_153 = vector.broadcast %and3A_152 : i32 to vector<512xi32>
    %and3A_154 = arith.andi %bitcast_convert_type3A_151, %and3A_153 : vector<512xi32>
    %and3A_155 = arith.constant -4096 : i32
    %and3A_156 = vector.broadcast %and3A_155 : i32 to vector<512xi32>
    %and3A_157 = arith.andi %bitcast_convert_type3A_151, %and3A_156 : vector<512xi32>
    %bitcast_convert_type3A_158 = tpu.bitcast %and3A_157 : vector<512xi32> -> vector<512xf32>
    %le3A_159 = arith.constant 1.000000e-01 : f32
    %le3A_160 = vector.broadcast %le3A_159 : f32 to vector<512xf32>
    %le3A_161 = arith.cmpf ole, %bitcast_convert_type3A_158, %le3A_160 : vector<512xf32>
    %select_n3A_162 = arith.select %le3A_161, %and3A_154, %and3A_99 : vector<512xi1>, vector<512xi32>
    %broadcast_in_dim3A_163 = vector.shape_cast %reduce_min3A_150 : vector<512xf32> to vector<512x1xf32>
    %eq3A_164 = vector.broadcast %broadcast_in_dim3A_163 : vector<512x1xf32> to vector<512x256xf32>
    %eq3A_165 = arith.cmpf oeq, %select_n3A_147, %eq3A_164 : vector<512x256xf32>
    %select_n3A_166 = arith.select %eq3A_165, %select_n3A_148, %select_n3A_147 : vector<512x256xi1>, vector<512x256xf32>
    %select_n3A_167 = arith.select %eq3A_165, %min3A_94, %select_n3A_148 : vector<512x256xi1>, vector<512x256xf32>
    %reduce_min3A_168 = arith.constant dense<0x7F800000> : vector<512xf32>
    %reduce_min3A_169 = vector.multi_reduction <minimumf>, %select_n3A_166, %reduce_min3A_168 [1] : vector<512x256xf32> to vector<512xf32>
    %bitcast_convert_type3A_170 = tpu.bitcast %reduce_min3A_169 : vector<512xf32> -> vector<512xi32>
    %and3A_171 = arith.constant 4095 : i32
    %and3A_172 = vector.broadcast %and3A_171 : i32 to vector<512xi32>
    %and3A_173 = arith.andi %bitcast_convert_type3A_170, %and3A_172 : vector<512xi32>
    %and3A_174 = arith.constant -4096 : i32
    %and3A_175 = vector.broadcast %and3A_174 : i32 to vector<512xi32>
    %and3A_176 = arith.andi %bitcast_convert_type3A_170, %and3A_175 : vector<512xi32>
    %bitcast_convert_type3A_177 = tpu.bitcast %and3A_176 : vector<512xi32> -> vector<512xf32>
    %le3A_178 = arith.constant 1.000000e-01 : f32
    %le3A_179 = vector.broadcast %le3A_178 : f32 to vector<512xf32>
    %le3A_180 = arith.cmpf ole, %bitcast_convert_type3A_177, %le3A_179 : vector<512xf32>
    %select_n3A_181 = arith.select %le3A_180, %and3A_173, %and3A_99 : vector<512xi1>, vector<512xi32>
    %broadcast_in_dim3A_182 = vector.shape_cast %reduce_min3A_169 : vector<512xf32> to vector<512x1xf32>
    %eq3A_183 = vector.broadcast %broadcast_in_dim3A_182 : vector<512x1xf32> to vector<512x256xf32>
    %eq3A_184 = arith.cmpf oeq, %select_n3A_166, %eq3A_183 : vector<512x256xf32>
    %select_n3A_185 = arith.select %eq3A_184, %select_n3A_167, %select_n3A_166 : vector<512x256xi1>, vector<512x256xf32>
    %select_n3A_186 = arith.select %eq3A_184, %min3A_94, %select_n3A_167 : vector<512x256xi1>, vector<512x256xf32>
    %reduce_min3A_187 = arith.constant dense<0x7F800000> : vector<512xf32>
    %reduce_min3A_188 = vector.multi_reduction <minimumf>, %select_n3A_185, %reduce_min3A_187 [1] : vector<512x256xf32> to vector<512xf32>
    %bitcast_convert_type3A_189 = tpu.bitcast %reduce_min3A_188 : vector<512xf32> -> vector<512xi32>
    %and3A_190 = arith.constant 4095 : i32
    %and3A_191 = vector.broadcast %and3A_190 : i32 to vector<512xi32>
    %and3A_192 = arith.andi %bitcast_convert_type3A_189, %and3A_191 : vector<512xi32>
    %and3A_193 = arith.constant -4096 : i32
    %and3A_194 = vector.broadcast %and3A_193 : i32 to vector<512xi32>
    %and3A_195 = arith.andi %bitcast_convert_type3A_189, %and3A_194 : vector<512xi32>
    %bitcast_convert_type3A_196 = tpu.bitcast %and3A_195 : vector<512xi32> -> vector<512xf32>
    %le3A_197 = arith.constant 1.000000e-01 : f32
    %le3A_198 = vector.broadcast %le3A_197 : f32 to vector<512xf32>
    %le3A_199 = arith.cmpf ole, %bitcast_convert_type3A_196, %le3A_198 : vector<512xf32>
    %select_n3A_200 = arith.select %le3A_199, %and3A_192, %and3A_99 : vector<512xi1>, vector<512xi32>
    %broadcast_in_dim3A_201 = vector.shape_cast %reduce_min3A_188 : vector<512xf32> to vector<512x1xf32>
    %eq3A_202 = vector.broadcast %broadcast_in_dim3A_201 : vector<512x1xf32> to vector<512x256xf32>
    %eq3A_203 = arith.cmpf oeq, %select_n3A_185, %eq3A_202 : vector<512x256xf32>
    %select_n3A_204 = arith.select %eq3A_203, %select_n3A_186, %select_n3A_185 : vector<512x256xi1>, vector<512x256xf32>
    %select_n3A_205 = arith.select %eq3A_203, %min3A_94, %select_n3A_186 : vector<512x256xi1>, vector<512x256xf32>
    %reduce_min3A_206 = arith.constant dense<0x7F800000> : vector<512xf32>
    %reduce_min3A_207 = vector.multi_reduction <minimumf>, %select_n3A_204, %reduce_min3A_206 [1] : vector<512x256xf32> to vector<512xf32>
    %bitcast_convert_type3A_208 = tpu.bitcast %reduce_min3A_207 : vector<512xf32> -> vector<512xi32>
    %and3A_209 = arith.constant 4095 : i32
    %and3A_210 = vector.broadcast %and3A_209 : i32 to vector<512xi32>
    %and3A_211 = arith.andi %bitcast_convert_type3A_208, %and3A_210 : vector<512xi32>
    %and3A_212 = arith.constant -4096 : i32
    %and3A_213 = vector.broadcast %and3A_212 : i32 to vector<512xi32>
    %and3A_214 = arith.andi %bitcast_convert_type3A_208, %and3A_213 : vector<512xi32>
    %bitcast_convert_type3A_215 = tpu.bitcast %and3A_214 : vector<512xi32> -> vector<512xf32>
    %le3A_216 = arith.constant 1.000000e-01 : f32
    %le3A_217 = vector.broadcast %le3A_216 : f32 to vector<512xf32>
    %le3A_218 = arith.cmpf ole, %bitcast_convert_type3A_215, %le3A_217 : vector<512xf32>
    %select_n3A_219 = arith.select %le3A_218, %and3A_211, %and3A_99 : vector<512xi1>, vector<512xi32>
    %broadcast_in_dim3A_220 = vector.shape_cast %reduce_min3A_207 : vector<512xf32> to vector<512x1xf32>
    %eq3A_221 = vector.broadcast %broadcast_in_dim3A_220 : vector<512x1xf32> to vector<512x256xf32>
    %eq3A_222 = arith.cmpf oeq, %select_n3A_204, %eq3A_221 : vector<512x256xf32>
    %select_n3A_223 = arith.select %eq3A_222, %select_n3A_205, %select_n3A_204 : vector<512x256xi1>, vector<512x256xf32>
    %reduce_min3A_224 = arith.constant dense<0x7F800000> : vector<512xf32>
    %reduce_min3A_225 = vector.multi_reduction <minimumf>, %select_n3A_223, %reduce_min3A_224 [1] : vector<512x256xf32> to vector<512xf32>
    %bitcast_convert_type3A_226 = tpu.bitcast %reduce_min3A_225 : vector<512xf32> -> vector<512xi32>
    %and3A_227 = arith.constant 4095 : i32
    %and3A_228 = vector.broadcast %and3A_227 : i32 to vector<512xi32>
    %and3A_229 = arith.andi %bitcast_convert_type3A_226, %and3A_228 : vector<512xi32>
    %and3A_230 = arith.constant -4096 : i32
    %and3A_231 = vector.broadcast %and3A_230 : i32 to vector<512xi32>
    %and3A_232 = arith.andi %bitcast_convert_type3A_226, %and3A_231 : vector<512xi32>
    %bitcast_convert_type3A_233 = tpu.bitcast %and3A_232 : vector<512xi32> -> vector<512xf32>
    %le3A_234 = arith.constant 1.000000e-01 : f32
    %le3A_235 = vector.broadcast %le3A_234 : f32 to vector<512xf32>
    %le3A_236 = arith.cmpf ole, %bitcast_convert_type3A_233, %le3A_235 : vector<512xf32>
    %select_n3A_237 = arith.select %le3A_236, %and3A_229, %and3A_99 : vector<512xi1>, vector<512xi32>
    %stack3A = vector.shape_cast %select_n3A : vector<512xi32> to vector<1x512xi32>
    %stack3A_238 = vector.shape_cast %select_n3A_124 : vector<512xi32> to vector<1x512xi32>
    %stack3A_239 = vector.shape_cast %select_n3A_143 : vector<512xi32> to vector<1x512xi32>
    %stack3A_240 = vector.shape_cast %select_n3A_162 : vector<512xi32> to vector<1x512xi32>
    %stack3A_241 = vector.shape_cast %select_n3A_181 : vector<512xi32> to vector<1x512xi32>
    %stack3A_242 = vector.shape_cast %select_n3A_200 : vector<512xi32> to vector<1x512xi32>
    %stack3A_243 = vector.shape_cast %select_n3A_219 : vector<512xi32> to vector<1x512xi32>
    %stack3A_244 = vector.shape_cast %select_n3A_237 : vector<512xi32> to vector<1x512xi32>
    %stack3A_245 = tpu.concatenate %stack3A, %stack3A_238, %stack3A_239, %stack3A_240, %stack3A_241, %stack3A_242, %stack3A_243, %stack3A_244 in 0 : vector<1x512xi32>, vector<1x512xi32>, vector<1x512xi32>, vector<1x512xi32>, vector<1x512xi32>, vector<1x512xi32>, vector<1x512xi32>, vector<1x512xi32> -> vector<8x512xi32>
    %mul3A_246 = arith.constant 4096 : i32
    %mul3A_247 = arith.muli %arg0, %mul3A_246 : i32
    %add3A_248 = vector.broadcast %mul3A_247 : i32 to vector<8x512xi32>
    %add3A_249 = arith.addi %stack3A_245, %add3A_248 : vector<8x512xi32>
    %slice3A_250 = vector.extract_strided_slice %add3A_249 {offsets = [0, 0], sizes = [8, 128], strides = [1, 1]} : vector<8x512xi32> to vector<8x128xi32>
    %swap3A = arith.constant 0 : index
    %swap3A_251 = arith.constant 0 : index
    %swap3A_252 = arith.constant 0 : index
    %swap3A_253 = arith.constant 0 : index
    %swap3A_254 = vector.load %arg4[%swap3A, %swap3A_251, %swap3A_252, %swap3A_253] : memref<1x4x8x128xi32, #tpu.memory_space<vmem>>, vector<1x1x8x128xi32>
    %swap3A_255 = vector.shape_cast %swap3A_254 : vector<1x1x8x128xi32> to vector<8x128xi32>
    %swap3A_256 = vector.shape_cast %slice3A_250 : vector<8x128xi32> to vector<1x1x8x128xi32>
    tpu.vector_store %arg4[%swap3A, %swap3A_251, %swap3A_252, %swap3A_253], %swap3A_256 {strides = array<i32>} : memref<1x4x8x128xi32, #tpu.memory_space<vmem>>, vector<1x1x8x128xi32>,
    %slice3A_257 = vector.extract_strided_slice %add3A_249 {offsets = [0, 128], sizes = [8, 128], strides = [1, 1]} : vector<8x512xi32> to vector<8x128xi32>
    %swap3A_258 = arith.constant 0 : index
    %swap3A_259 = arith.constant 1 : index
    %swap3A_260 = arith.constant 0 : index
    %swap3A_261 = arith.constant 0 : index
    %swap3A_262 = vector.load %arg4[%swap3A_258, %swap3A_259, %swap3A_260, %swap3A_261] : memref<1x4x8x128xi32, #tpu.memory_space<vmem>>, vector<1x1x8x128xi32>
    %swap3A_263 = vector.shape_cast %swap3A_262 : vector<1x1x8x128xi32> to vector<8x128xi32>
    %swap3A_264 = vector.shape_cast %slice3A_257 : vector<8x128xi32> to vector<1x1x8x128xi32>
    tpu.vector_store %arg4[%swap3A_258, %swap3A_259, %swap3A_260, %swap3A_261], %swap3A_264 {strides = array<i32>} : memref<1x4x8x128xi32, #tpu.memory_space<vmem>>, vector<1x1x8x128xi32>,
    %slice3A_265 = vector.extract_strided_slice %add3A_249 {offsets = [0, 256], sizes = [8, 128], strides = [1, 1]} : vector<8x512xi32> to vector<8x128xi32>
    %swap3A_266 = arith.constant 0 : index
    %swap3A_267 = arith.constant 2 : index
    %swap3A_268 = arith.constant 0 : index
    %swap3A_269 = arith.constant 0 : index
    %swap3A_270 = vector.load %arg4[%swap3A_266, %swap3A_267, %swap3A_268, %swap3A_269] : memref<1x4x8x128xi32, #tpu.memory_space<vmem>>, vector<1x1x8x128xi32>
    %swap3A_271 = vector.shape_cast %swap3A_270 : vector<1x1x8x128xi32> to vector<8x128xi32>
    %swap3A_272 = vector.shape_cast %slice3A_265 : vector<8x128xi32> to vector<1x1x8x128xi32>
    tpu.vector_store %arg4[%swap3A_266, %swap3A_267, %swap3A_268, %swap3A_269], %swap3A_272 {strides = array<i32>} : memref<1x4x8x128xi32, #tpu.memory_space<vmem>>, vector<1x1x8x128xi32>,
    %slice3A_273 = vector.extract_strided_slice %add3A_249 {offsets = [0, 384], sizes = [8, 128], strides = [1, 1]} : vector<8x512xi32> to vector<8x128xi32>
    %swap3A_274 = arith.constant 0 : index
    %swap3A_275 = arith.constant 3 : index
    %swap3A_276 = arith.constant 0 : index
    %swap3A_277 = arith.constant 0 : index
    %swap3A_278 = vector.load %arg4[%swap3A_274, %swap3A_275, %swap3A_276, %swap3A_277] : memref<1x4x8x128xi32, #tpu.memory_space<vmem>>, vector<1x1x8x128xi32>
    %swap3A_279 = vector.shape_cast %swap3A_278 : vector<1x1x8x128xi32> to vector<8x128xi32>
    %swap3A_280 = vector.shape_cast %slice3A_273 : vector<8x128xi32> to vector<1x1x8x128xi32>
    tpu.vector_store %arg4[%swap3A_274, %swap3A_275, %swap3A_276, %swap3A_277], %swap3A_280 {strides = array<i32>} : memref<1x4x8x128xi32, #tpu.memory_space<vmem>>, vector<1x1x8x128xi32>,
    return
  }
  func.func @transform_0(%arg0: i32, %arg1: i32) -> (i32, i32, i32) {
    %c0_i32 = arith.constant 0 : i32
    %c0_i32_0 = arith.constant 0 : i32
    return %arg0, %c0_i32, %arg1 : i32, i32, i32
  }
  func.func @transform_1(%arg0: i32, %arg1: i32) -> (i32, i32, i32) {
    %c0_i32 = arith.constant 0 : i32
    %c0_i32_0 = arith.constant 0 : i32
    %c0_i32_1 = arith.constant 0 : i32
    return %arg0, %c0_i32, %c0_i32_0 : i32, i32, i32
  }
  func.func @transform_2(%arg0: i32, %arg1: i32) -> (i32, i32, i32, i32) {
    %c0_i32 = arith.constant 0 : i32
    %c0_i32_0 = arith.constant 0 : i32
    %c0_i32_1 = arith.constant 0 : i32
    return %arg0, %arg1, %c0_i32, %c0_i32_0 : i32, i32, i32, i32
  }
}

</mosaic_0001>

<sc_bundles>
// kernel: kernel.4.cloned.1.call-start
scs
__scs_entry_jumppad:
0x0: {  	(pc) =	sbr.rel $0x88, $3  }
0x1: {  	(tag) =	ssettag $0x0;
	lr =	simm.s32 $0x1  }
0x2: {  	[smem:$0x3F9F] =	sst lr;
	_ =	strace $0xD0000000  }
0x3: {  	_ = 	snop  }
0x4: {  	_ = 	snop  }
0x5: {  	_ = 	snop  }
0x6: {  	_ = 	snop  }
0x7: {  	_ = 	snop  }
__scs_overlays_trampoline_lowered:
0x8: {  	[smem:$0x3FAE] =	sst s0  }
0x9: {  	[smem:$0x3FAF] =	sst s1  }
0xa: {  	[smem:$0x3FB0] =	sst s2  }
0xb: {  	[smem:$0x3FB1] =	sst s3  }
0xc: {  	[smem:$0x3FB2] =	sst s4  }
0xd: {  	[smem:$0x3FB3] =	sst s5  }
0xe: {  	[smem:$0x3FB4] =	sst s6  }
0xf: {  	[smem:$0x3FB5] =	sst s7  }
0x10: {  	[smem:$0x3FB6] =	sst s8  }
0x11: {  	[smem:$0x3FB7] =	sst s9;
	s0 =	simm.s32 @!p0 $0x0  }
0x12: {  	s1 =	sld [smem:$0x3F9D];
	s0 =	simm.s32 @p0 $0x1  }
0x13: {  	[smem:$0x3FB8] =	sst s0;
	s0 =	simm.s32 @!p1 $0x0  }
0x14: {  	s2 =	sld [smem:$0x3F9C];
	s0 =	simm.s32 @p1 $0x1  }
0x15: {  	[smem:$0x3FB9] =	sst s0;
	s0 =	simm.s32 @!p2 $0x0  }
0x16: {  	s3 =	sld [smem:$0x3FDB];
	s0 =	simm.s32 @p2 $0x1  }
0x17: {  	s4 =	simm.s32 $0x1BF5;
	[smem:$0x3FBB] =	sst s0  }
0x18: {  	s0 =	sld [smem:$0x3F9E];
	_ =	swait.ge [sflag:s4], $0x0  }
0x19: {  	s7 =	sld [smem:$0x3F9F]  }
0x1a: {  	s8 =	sadd.s32 $0xFFFFE003, lr  }
0x1b: {  	s9 =	sadd.s32 $0xFFFFFEF7, lr;
	s5 =	simm.s32 $0xFFFFFFFF;
	p2 =	slt.u32 s8, $0xFFFFF086  }
0x1c: {  	p1 =	slt.u32 s9, $0xF7A;
	s5 =	simm.s32 @!p2 $0x0  }
0x1d: {  	s5 =	simm.s32 @p1 $0x1;
	p0 =	seq.s32 s7, s2  }
0x1e: {  	s7 =	smul.u32 @!p0 $0xF7A, s2;
	p2 =	seq.s32 @!p0 s5, $0x0  }
0x1f: {  	s9 =	smul.u32 $0xF7A, s1;
	s8 =	simm.s32 @!p0 $0x1BF5;
	p2 =	por !p2, p0  }
0x20: {  	[sflag:s8] =	ssyncset.s32 @!p0 $0xFFFFF086;
	s6 =	sadd.s32 @!p0 s3, s7;
	s7 =	simm.s32 @!p0 $0x108  }
0x21: {  	s3 =	sadd.s32 s3, s9;
	s6 =	sadd.s32 @!p0 $0x88, s6;
	s7 =	simm.s32 @p2 $0x1082  }
0x22: {  	[simem:s7], [sflag:s8] =	dma.local @!p0 [hbm:s6], $0xF7A  }
0x23: {  	s9 =	sor.u32 $0xD0000000, s2;
	s6 =	simm.s32 $0x108;
	_ =	swait.ge @!p0 [sflag:s8], $0x0  }
0x24: {  	s3 =	sadd.s32 $0x88, s3;
	s6 =	simm.s32 @!p1 $0x1082;
	[sflag:s4] =	ssyncset.s32 $0xFFFFF086  }
0x25: {  	[simem:s6], [sflag:s4] =	dma.local [hbm:s3], $0xF7A  }
0x26: {  	[smem:$0x3F9F] =	sst s1;
	(tag) =	ssettag s2;
	_ =	strace s9  }
0x27: {  	s1 =	sld [smem:$0x3FAF]  }
0x28: {  	s2 =	sld [smem:$0x3FB0]  }
0x29: {  	s4 =	sld [smem:$0x3FB2]  }
0x2a: {  	p0 =	seq.s32 s5, $0x0;
	s5 =	sld [smem:$0x3FB3]  }
0x2b: {  	s6 =	sld [smem:$0x3FB4]  }
0x2c: {  	s7 =	sld [smem:$0x3FB5]  }
0x2d: {  	s3 =	simm.s32 $0x108;
	s8 =	sld [smem:$0x3FB6]  }
0x2e: {  	s3 =	simm.s32 @!p0 $0x1082;
	s9 =	sld [smem:$0x3FB7]  }
0x2f: {  	lr =	sadd.s32 s0, s3;
	s0 =	sld [smem:$0x3FAE]  }
0x30: {  	s3 =	sld [smem:$0x3FB1]  }
0x31: {  	[smem:$0x3FBA] =	sst s10  }
0x32: {  	s10 =	sld [smem:$0x3FB8];
	_ =	sdelay $0x3  }
0x33: {  	p0 =	seq.s32 s10, $0x1;
	s10 =	sld [smem:$0x3FBA];
	_ =	sdelay $0x3  }
0x34: {  	[smem:$0x3FBA] =	sst s10  }
0x35: {  	s10 =	sld [smem:$0x3FB9];
	_ =	sdelay $0x3  }
0x36: {  	p1 =	seq.s32 s10, $0x1;
	s10 =	sld [smem:$0x3FBA];
	_ =	sdelay $0x3  }
0x37: {  	[smem:$0x3FBA] =	sst s10  }
0x38: {  	s10 =	sld [smem:$0x3FBB]  }
0x39: {  	_ = 	snop;
	(pc) =	sbr.ind lr, $3  }
0x3a: {  	_ = 	snop  }
0x3b: {  	_ = 	snop  }
0x3c: {  	p2 =	seq.s32 s10, $0x1;
	s10 =	sld [smem:$0x3FBA]  }
0x3d: {  	_ =	shalt  }
0x3e: {  	_ =	shalt  }
0x3f: {  	_ =	shalt  }
0x40: {  	_ =	shalt  }
0x41: {  	_ =	shalt  }
0x42: {  	_ =	shalt  }
0x43: {  	_ =	shalt  }
0x44: {  	_ =	shalt  }
0x45: {  	_ =	shalt  }
0x46: {  	_ =	shalt  }
0x47: {  	_ =	shalt  }
0x48: {  	_ =	shalt  }
0x49: {  	_ =	shalt  }
0x4a: {  	_ =	shalt  }
0x4b: {  	_ =	shalt  }
0x4c: {  	_ =	shalt  }
0x4d: {  	_ =	shalt  }
0x4e: {  	_ =	shalt  }
0x4f: {  	_ =	shalt  }
0x50: {  	_ =	shalt  }
0x51: {  	_ =	shalt  }
0x52: {  	_ =	shalt  }
0x53: {  	_ =	shalt  }
0x54: {  	_ =	shalt  }
0x55: {  	_ =	shalt  }
0x56: {  	_ =	shalt  }
0x57: {  	_ =	shalt  }
0x58: {  	_ =	shalt  }
0x59: {  	_ =	shalt  }
0x5a: {  	_ =	shalt  }
0x5b: {  	_ =	shalt  }
0x5c: {  	_ =	shalt  }
0x5d: {  	_ =	shalt  }
0x5e: {  	_ =	shalt  }
0x5f: {  	_ =	shalt  }
0x60: {  	_ =	shalt  }
0x61: {  	_ =	shalt  }
0x62: {  	_ =	shalt  }
0x63: {  	_ =	shalt  }
0x64: {  	_ =	shalt  }
0x65: {  	_ =	shalt  }
0x66: {  	_ =	shalt  }
0x67: {  	_ =	shalt  }
0x68: {  	_ =	shalt  }
0x69: {  	_ =	shalt  }
0x6a: {  	_ =	shalt  }
0x6b: {  	_ =	shalt  }
0x6c: {  	_ =	shalt  }
0x6d: {  	_ =	shalt  }
0x6e: {  	_ =	shalt  }
0x6f: {  	_ =	shalt  }
0x70: {  	_ =	shalt  }
0x71: {  	_ =	shalt  }
0x72: {  	_ =	shalt  }
0x73: {  	_ =	shalt  }
0x74: {  	_ =	shalt  }
0x75: {  	_ =	shalt  }
0x76: {  	_ =	shalt  }
0x77: {  	_ =	shalt  }
0x78: {  	_ =	shalt  }
0x79: {  	_ =	shalt  }
0x7a: {  	_ =	shalt  }
0x7b: {  	_ =	shalt  }
0x7c: {  	_ =	shalt  }
0x7d: {  	_ =	shalt  }
0x7e: {  	_ =	shalt  }
0x7f: {  	_ =	shalt  }
0x80: {  	_ =	shalt  }
0x81: {  	_ =	shalt  }
0x82: {  	_ =	shalt  }
0x83: {  	_ =	shalt  }
0x84: {  	_ =	shalt  }
0x85: {  	_ =	shalt  }
0x86: {  	_ =	shalt  }
0x87: {  	_ =	shalt  }
.Lfunc_end0:
.L_simem_size_0:
called_computation_lowered:
.L_overlay_start_0:
0x88: {  	s2 =	sld [smem:$0x3FD9]  }
0x89: {  	s3 =	sld [smem:$0x3FFE];
	_ =	sdelay $0x1  }
0x8a: {  	s1 =	srdreg.scid  }
0x8b: {  	s0 =	sand.u32 $0x1, s1  }
0x8c: {  	s16 =	sshll.u32 s0, $0xA;
	s2 =	sadd.s32 s3, s2  }
0x8d: {  	s2 =	sadd.s32 s2, s16  }
0x8e: {  	[smem:$0x3FC6] =	sst s2  }
0x8f: {  	_ = 	snop  }
0x90: {  	(tm) =	ssettm $0x1  }
0x91: {  	s17 =	sld [smem:$0x3FFB];
	_ =	sdelay $0x3  }
0x92: {  	_ =	strace s17  }
0x93: {  	s2 =	sld [smem:$0x3FFC];
	_ =	sdelay $0x3  }
0x94: {  	_ =	strace s2  }
0x95: {  	s2 =	sld [smem:$0x3FFD];
	_ =	sdelay $0x3  }
0x96: {  	_ =	strace s2  }
0x97: {  	_ =	strace $0x8FFFFFFF  }
0x98: {  	s18 =	sld [smem:$0x3FDB];
	_ =	sdelay $0x1  }
0x99: {  	s19 =	simm.s32 $_scs_section_size  }
0x9a: {  	s4 =	simm.s32 $_size__tile_overlayer_lowered;
	s5 =	simm.s32 $_tile_overlayer_lowered  }
0x9b: {  	s22 =	simm.s32 $0x1BFF;
	s21 =	sshll.u32 s5, $0x1;
	s2 =	sadd.s32 s19, s18  }
0x9c: {  	s6 =	simm.s32 $0x0;
	s20 =	sshll.u32 s4, $0x1;
	s4 =	sadd.s32 s21, s2  }
0x9d: {  	[timem:s6], [sflag:s22] =	dma.local [hbm:s4], s20  }
0x9e: {  	_ =	swait.ge [sflag:s22], s20  }
0x9f: {  	s3 =	ssub.s32 $0x0, s20;
	[sflag:s22] =	ssyncset.done $0x0  }
0xa0: {  	[sflag:s22] =	ssyncadd.s32 s3;
	_ =	sdelay $0x1  }
0xa1: {  	s23 =	simm.s32 $0x1B8B  }
0xa2: {  	_ =	swait.ge [sflag:s23], $0x1  }
0xa3: {  	[sflag:s23] =	ssyncset.done $0x0  }
0xa4: {  	s25 =	simm.s32 $0x1B8E;
	s24 =	sld [smem:$0x3FFE];
	[sflag:s23] =	ssyncadd.s32 $0xFFFFFFFF  }
0xa5: {  	s26 =	simm.s32 $execute0_lowered;
	[smem:$0x3FD2] =	sst s25  }
0xa6: {  	s4 =	sshll.u32 s26, $0x1;
	_ =	strace $0x80000046;
	[dreg:$0x1] =	wrdreg $0xFFFFFFFF  }
0xa7: {  	s28 =	simm.s32 $_size_execute0_lowered;
	s2 =	sadd.s32 s2, s4;
	[dreg:$0x0] =	wrdreg $0x0  }
0xa8: {  	s4 =	sshll.u32 s28, $0x1;
	[dreg:$0x2] =	wrdreg s2  }
0xa9: {  	[dreg:$0x3] =	wrdreg s4  }
0xaa: {  	[dreg:$0x4] =	wrdreg $0xC0  }
0xab: {  	_ =	task [dreg:s6], $0x5FFFF  }
0xac: {  	[dreg:$0x1] =	wrdreg $0xFFFFFFFF  }
0xad: {  	[dreg:$0x0] =	wrdreg $0x60  }
0xae: {  	[dreg:$0x2] =	wrdreg s24  }
0xaf: {  	[dreg:$0x3] =	wrdreg $0x9  }
0xb0: {  	_ =	task.clear_ibuf [dreg:s6], $0x4FFFF;
	_ =	strace $0x90000046  }
0xb1: {  	s29 =	simm.s32 $0x9;
	_ =	strace $0x80000048  }
0xb2: {  	_ =	swait.ge [sflag:s29], $0x1  }
0xb3: {  	[sflag:s29] =	ssyncadd.s32 $0xFFFFFFFF  }
0xb4: {  	_ =	strace $0x90000048  }
0xb5: {  	_ =	sfence  }
0xb6: {  	s30 =	sld [smem:$0x0];
	_ =	sdelay $0x2  }
0xb7: {  	s31 =	sshll.u32 s1, $0xD;
	s1 =	sshrl.u32 s1, $0x2  }
0xb8: {  	s3 =	sand.u32 $0x4000, s31;
	s1 =	sadd.s32 s1, s30  }
0xb9: {  	s0 =	sor.u32 s3, s0;
	s1 =	sshll.u32 s1, $0x11  }
0xba: {  	s0 =	sor.u32 s1, s0  }
0xbb: {  	s0 =	sadd.s32 $0x8F2B, s0  }
0xbc: {  	[sflag:s0] =	ssyncadd.remote.s32 $0x1  }
0xbd: {  	_ =	sfence.sel $0xFFFF  }
0xbe: {  	[dreg:$0x0] =	wrdreg $0xFFFFFFFF;
	(pc) =	sbr.abs _section_cstart, $3  }
0xbf: {  	[dreg:$0x1] =	wrdreg $0xFFFFFFFF  }
0xc0: {  	_ =	task.clear_ibuf [dreg:s6], $0x2FFFF;
	_ =	strace $0x9FFFFFFF  }
0xc1: {  	(tm) =	ssettm $0x7FFFFFFF  }
tec
execute0_lowered:
.L_overlay_start_1:
0x0: {  	(tag) =	ssettag $0x1  }
0x1: {  	s4 =	rddreg [dreg:$0x0];
	s2 =	simm.s32 $0x0;
	s1 =	stileid.u32  }
0x2: {  	s5 =	srdreg.scid;
	s10 =	simm.s32 $0x80;
	s11 =	simm.s32 $0xC00  }
0x3: {  	s12 =	simm.s32 $0x1400;
	s13 =	simm.s32 $0x100;
	s14 =	simm.s32 $0x1C00  }
0x4: {  	s15 =	simm.s32 $0x180;
	s16 =	simm.s32 $0x2400;
	s17 =	simm.s32 $0x200  }
0x5: {  	s18 =	simm.s32 $0x2C00;
	s19 =	simm.s32 $0x280;
	s20 =	simm.s32 $0x3400  }
0x6: {  	s21 =	simm.s32 $0x300;
	s22 =	simm.s32 $0x3C00;
	s23 =	simm.s32 $0x380  }
0x7: {  	s24 =	simm.s32 $0x4400;
	s25 =	simm.s32 $0x1;
	s26 =	simm.s32 $0x4C00  }
0x8: {  	s28 =	simm.s32 $0x0;
	[smem:$0x7FF] =	sst s2;
	s3 =	sadd.s32 $0x400, s4  }
0x9: {  	s5 =	sand.u32 $0x1, s5;
	s6 =	sshll.u32 s1, $0x1;
	s7 =	sshll.u32 s1, $0xA  }
0xa: {  	_ =	strace $0x80000047;
	s6 =	sor.u32 s5, s6;
	s5 =	ssub.s32 $0x2, s5  }
0xb: {  	s7 =	sand.u32 $0x3000, s7;
	s8 =	sshll.u32 s6, $0x1;
	s9 =	sshrl.u32 s5, $0x1  }
0xc: {  	s7 =	sadd.s32 s7, s4;
	s8 =	sadd.s32 s8, s4;
	s9 =	ssub.s32 s5, s9  }
0xd: {  	s4 =	sshll.u32 s6, $0x2;
	s5 =	sadd.s32 $0x8400, s7;
	s6 =	sadd.s32 $0xC400, s8  }
0xe: {  	s7 =	smax.u32 s9, $0x1;
	s8 =	simm.s32 $0x2;
	s9 =	simm.s32 $0x400  }
.LBB2_1:
0xf: {  	v1 =	vimm.f32 $0.0e+00;
	s29 =	simm.s32 $0x0  }
.LBB2_2:
0x10: {  	s30 =	sadd.s32 s4, s29  }
0x11: {  	s31 =	sshll.u32 s30, $0x7  }
0x12: {  	s31 =	sand.u32 $0xF80, s31  }
0x13: {  	s0 =	simm.s32 $0x0;
	s31 =	sadd.s32 s31, s5  }
0x14: {  	[tilespmem:s0], [sflag:$0x2] =	stream.linear.gather [hbm4b:s31+s0], $0x400, $0x38;
	[tilespmem:$0x4C10] =	vst v63  }
0x15: {  	_ =	swait.ge [sflag:s8], $0x400  }
0x16: {  	s30 =	sshll.u32 s30, $0x8;
	[sflag:s8] =	ssyncset.done $0x0  }
0x17: {  	s30 =	sadd.s32 s3, s30;
	[sflag:s8] =	ssyncadd.s32 $0xFFFFFC00  }
0x18: {  	[tilespmem:s9], [sflag:$0x2] =	stream.linear.gather [hbm4b:s30+s0], $0x800, $0x38;
	[tilespmem:$0x4C10] =	vst v63  }
0x19: {  	_ =	swait.ge [sflag:s8], $0x800  }
0x1a: {  	[sflag:s8] =	ssyncset.done $0x0  }
0x1b: {  	[sflag:s8] =	ssyncadd.s32 $0xFFFFF800  }
0x1c: {  	[tilespmem:s11], [sflag:$0x1] =	stream.indirect.gather [hbm4b:s3+s10], $0x10, s0, s10, $0xb8;
	[tilespmem:$0x4C10] =	vst v63  }
0x1d: {  	_ = 	snop  }
0x1e: {  	[tilespmem:s12], [sflag:$0x1] =	stream.indirect.gather [hbm4b:s3+s10], $0x10, s10, s10, $0xb8;
	[tilespmem:$0x4C10] =	vst v63  }
0x1f: {  	_ = 	snop  }
0x20: {  	[tilespmem:s14], [sflag:$0x1] =	stream.indirect.gather [hbm4b:s3+s10], $0x10, s13, s10, $0xb8;
	[tilespmem:$0x4C10] =	vst v63  }
0x21: {  	_ = 	snop  }
0x22: {  	[tilespmem:s16], [sflag:$0x1] =	stream.indirect.gather [hbm4b:s3+s10], $0x10, s15, s10, $0xb8;
	[tilespmem:$0x4C10] =	vst v63  }
0x23: {  	_ = 	snop  }
0x24: {  	[tilespmem:s18], [sflag:$0x1] =	stream.indirect.gather [hbm4b:s3+s10], $0x10, s17, s10, $0xb8;
	[tilespmem:$0x4C10] =	vst v63  }
0x25: {  	_ = 	snop  }
0x26: {  	[tilespmem:s20], [sflag:$0x1] =	stream.indirect.gather [hbm4b:s3+s10], $0x10, s19, s10, $0xb8;
	[tilespmem:$0x4C10] =	vst v63  }
0x27: {  	_ = 	snop  }
0x28: {  	[tilespmem:s22], [sflag:$0x1] =	stream.indirect.gather [hbm4b:s3+s10], $0x10, s21, s10, $0xb8;
	[tilespmem:$0x4C10] =	vst v63  }
0x29: {  	_ = 	snop  }
0x2a: {  	[tilespmem:s24], [sflag:$0x1] =	stream.indirect.gather [hbm4b:s3+s10], $0x10, s23, s10, $0xb8;
	[tilespmem:$0x4C10] =	vst v63  }
0x2b: {  	_ =	swait.ge [sflag:s25], $0x800  }
0x2c: {  	[sflag:s25] =	ssyncset.done $0x0  }
0x2d: {  	[sflag:s25] =	ssyncadd.s32 $0xFFFFF800  }
0x2e: {  	_ =	swait.ge [sflag:s25], $0x800  }
0x2f: {  	[sflag:s25] =	ssyncset.done $0x0  }
0x30: {  	[sflag:s25] =	ssyncadd.s32 $0xFFFFF800  }
0x31: {  	_ =	swait.ge [sflag:s25], $0x800  }
0x32: {  	[sflag:s25] =	ssyncset.done $0x0  }
0x33: {  	[sflag:s25] =	ssyncadd.s32 $0xFFFFF800  }
0x34: {  	_ =	swait.ge [sflag:s25], $0x800  }
0x35: {  	[sflag:s25] =	ssyncset.done $0x0  }
0x36: {  	[sflag:s25] =	ssyncadd.s32 $0xFFFFF800  }
0x37: {  	_ =	swait.ge [sflag:s25], $0x800  }
0x38: {  	[sflag:s25] =	ssyncset.done $0x0  }
0x39: {  	[sflag:s25] =	ssyncadd.s32 $0xFFFFF800  }
0x3a: {  	_ =	swait.ge [sflag:s25], $0x800  }
0x3b: {  	[sflag:s25] =	ssyncset.done $0x0  }
0x3c: {  	[sflag:s25] =	ssyncadd.s32 $0xFFFFF800  }
0x3d: {  	_ =	swait.ge [sflag:s25], $0x800  }
0x3e: {  	[sflag:s25] =	ssyncset.done $0x0  }
0x3f: {  	[sflag:s25] =	ssyncadd.s32 $0xFFFFF800  }
0x40: {  	_ =	swait.ge [sflag:s25], $0x800  }
0x41: {  	[sflag:s25] =	ssyncset.done $0x0  }
0x42: {  	s0 =	simm.s32 $0x0;
	[sflag:s25] =	ssyncadd.s32 $0xFFFFF800  }
0x43: {  	v0 =	vld [tilespmem:s0+$0x400]  }
0x44: {  	v2 =	vld [tilespmem:s0+$0xC00];
	_ =	sdelay $0x1  }
0x45: {  	v3 =	vld [tilespmem:s0+$0x1400];
	_ =	sdelay $0x1  }
0x46: {  	v4 =	vld [tilespmem:s0+$0x1C00]  }
0x47: {  	v2 =	vsub.f32 v0, v2  }
0x48: {  	v5 =	vld [tilespmem:s0+$0x2400]  }
0x49: {  	v3 =	vsub.f32 v0, v3;
	v2 =	vand.u32 $0x7FFFFFFF, v2  }
0x4a: {  	v6 =	vld [tilespmem:s0+$0x2C00];
	v1 =	vadd.f32 v2, v1  }
0x4b: {  	v2 =	vand.u32 $0x7FFFFFFF, v3;
	v3 =	vsub.f32 v0, v4  }
0x4c: {  	v7 =	vld [tilespmem:s0+$0x3400];
	v1 =	vadd.f32 v2, v1  }
0x4d: {  	v2 =	vand.u32 $0x7FFFFFFF, v3;
	v3 =	vsub.f32 v0, v5  }
0x4e: {  	v1 =	vadd.f32 v2, v1;
	v2 =	vld [tilespmem:s0+$0x3C00]  }
0x4f: {  	v5 =	vsub.f32 v0, v6;
	v4 =	vand.u32 $0x7FFFFFFF, v3  }
0x50: {  	s30 =	simm.s32 $0x10;
	v3 =	vld [tilespmem:s0+$0x4400];
	v4 =	vadd.f32 v4, v1  }
0x51: {  	s31 =	simm.s32 $0x80;
	v6 =	vand.u32 $0x7FFFFFFF, v5;
	v5 =	vsub.f32 v0, v7;
	v1 =	vld [tilespmem:s30+$0x400]  }
.LBB2_3:
0x52: {  	p0 =	sne.s32 s31, $0x1FC0;
	v7 =	vld [tilespmem:s30+$0xC00];
	v4 =	vadd.f32 v6, v4  }
0x53: {  	v5 =	vand.u32 $0x7FFFFFFF, v5;
	v2 =	vsub.f32 v0, v2  }
0x54: {  	v6 =	vld [tilespmem:s30+$0x1400];
	v4 =	vadd.f32 v5, v4  }
0x55: {  	v2 =	vand.u32 $0x7FFFFFFF, v2;
	v3 =	vsub.f32 v0, v3  }
0x56: {  	v5 =	vld [tilespmem:s30+$0x1C00];
	v2 =	vadd.f32 v2, v4;
	v0 =	vmov v1  }
0x57: {  	v1 =	vsub.f32 v0, v7;
	v3 =	vand.u32 $0x7FFFFFFF, v3  }
0x58: {  	v4 =	vld [tilespmem:s30+$0x2400];
	v2 =	vadd.f32 v3, v2  }
0x59: {  	v1 =	vand.u32 $0x7FFFFFFF, v1;
	v3 =	vsub.f32 v0, v6  }
0x5a: {  	v1 =	vadd.f32 v1, v2;
	v6 =	vld [tilespmem:s30+$0x2C00]  }
0x5b: {  	v2 =	vand.u32 $0x7FFFFFFF, v3;
	v3 =	vsub.f32 v0, v5  }
0x5c: {  	v1 =	vadd.f32 v2, v1;
	v5 =	vld [tilespmem:s30+$0x3400]  }
.Ltmp0:
0x5d: {  	v2 =	vand.u32 $0x7FFFFFFF, v3;
	v3 =	vsub.f32 v0, v4;
	(pc) =	sbr.rel @p0 .LBB2_3-.Ltmp0, $4  }
0x5e: {  	v1 =	vadd.f32 v2, v1;
	v2 =	vld [tilespmem:s30+$0x3C00]  }
0x5f: {  	v3 =	vand.u32 $0x7FFFFFFF, v3;
	v6 =	vsub.f32 v0, v6  }
0x60: {  	v4 =	vadd.f32 v3, v1;
	v3 =	vld [tilespmem:s30+$0x4400];
	s30 =	sshra.s32 s31, $0x2  }
0x61: {  	s31 =	sadd.s32 $0x40, s31;
	v1 =	vld [tilespmem:s30+$0x400];
	v6 =	vand.u32 $0x7FFFFFFF, v6;
	v5 =	vsub.f32 v0, v5  }
0x62: {  	v7 =	vld [tilespmem:s30+$0xC00];
	v4 =	vadd.f32 v6, v4  }
0x63: {  	v5 =	vand.u32 $0x7FFFFFFF, v5;
	v2 =	vsub.f32 v0, v2  }
0x64: {  	v58 =	vld [tilespmem:s30+$0x1400];
	v4 =	vadd.f32 v5, v4  }
0x65: {  	v2 =	vand.u32 $0x7FFFFFFF, v2;
	v0 =	vsub.f32 v0, v3  }
0x66: {  	v3 =	vld [tilespmem:s30+$0x1C00];
	v2 =	vadd.f32 v2, v4  }
0x67: {  	v59 =	vsub.f32 v1, v7;
	v0 =	vand.u32 $0x7FFFFFFF, v0  }
0x68: {  	v60 =	vld [tilespmem:s30+$0x2400];
	v0 =	vadd.f32 v0, v2  }
0x69: {  	v61 =	vsub.f32 v1, v58;
	v2 =	vand.u32 $0x7FFFFFFF, v59  }
0x6a: {  	v0 =	vadd.f32 v2, v0;
	v2 =	vld [tilespmem:s30+$0x2C00]  }
0x6b: {  	v4 =	vand.u32 $0x7FFFFFFF, v61;
	v3 =	vsub.f32 v1, v3  }
0x6c: {  	v62 =	vld [tilespmem:s30+$0x3400];
	v0 =	vadd.f32 v4, v0  }
0x6d: {  	v5 =	vsub.f32 v1, v60;
	v3 =	vand.u32 $0x7FFFFFFF, v3  }
0x6e: {  	v0 =	vadd.f32 v3, v0;
	v3 =	vld [tilespmem:s30+$0x3C00]  }
0x6f: {  	v5 =	vand.u32 $0x7FFFFFFF, v5;
	v2 =	vsub.f32 v1, v2  }
0x70: {  	v63 =	vld [tilespmem:s30+$0x4400];
	v0 =	vadd.f32 v5, v0  }
0x71: {  	v4 =	vsub.f32 v1, v62;
	v2 =	vand.u32 $0x7FFFFFFF, v2  }
0x72: {  	s29 =	sadd.s32 $0x1, s29;
	v0 =	vadd.f32 v2, v0  }
0x73: {  	p0 =	sne.s32 s29, $0x4;
	v2 =	vand.u32 $0x7FFFFFFF, v4;
	v3 =	vsub.f32 v1, v3  }
.Ltmp1:
0x74: {  	v0 =	vadd.f32 v2, v0;
	(pc) =	sbr.rel @p0 .LBB2_2-.Ltmp1, $4  }
0x75: {  	v1 =	vsub.f32 v1, v63;
	v2 =	vand.u32 $0x7FFFFFFF, v3  }
0x76: {  	v0 =	vadd.f32 v2, v0  }
0x77: {  	v1 =	vand.u32 $0x7FFFFFFF, v1  }
0x78: {  	v1 =	vadd.f32 v1, v0  }
0x79: {  	s28 =	sadd.s32 $0x1, s28  }
0x7a: {  	p0 =	sne.s32 s28, s7  }
.Ltmp2:
0x7b: {  	[tilespmem:$0x4C00] =	vst v1;
	(pc) =	sbr.rel @p0 .LBB2_1-.Ltmp2, $4  }
0x7c: {  	[hbm4b:s6+s2] =	stream.linear.scatter [tilespmem:s26], [sflag:$0x2], $0x10, $0x38;
	[tilespmem:$0x4C10] =	vst v63  }
0x7d: {  	_ =	swait.ge [sflag:s8], $0x10  }
0x7e: {  	[sflag:s8] =	ssyncset.done $0x0  }
0x7f: {  	[sflag:s8] =	ssyncadd.s32 $0xFFFFFFF0  }
0x80: {  	_ =	sfence.sel $0x180000  }
0x81: {  	[bflag:$0x0] =	sbarrier.arrive $0xFFFF  }
0x82: {  	_ =	strace $0x90000047  }
0x83: {  	[bflag:$0x2] =	sbarrier.arrive $0xFFFF  }
0x84: {  	p0 =	sne.s32 s1, $0x0;
	s0 =	rddreg [dreg:$0x1]  }
0x85: {  	s0 =	sadd.s32 @!p0 $0x100000, s0  }
0x86: {  	[sflag:s0] =	ssyncadd.tile.s32 @!p0 $0x1;
	_ =	shalt  }
.Lfunc_end2:
_tile_overlayer_lowered:
.L_overlay_start_2:
0x87: {  	(tag) =	ssettag $0x2  }
0x88: {  	s0 =	rddreg [dreg:$0x0];
	s2 =	stileid.u32  }
0x89: {  	s1 =	rddreg [dreg:$0x1];
	p0 =	sne.s32 s2, $0x0  }
0x8a: {  	s3 =	rddreg [dreg:$0x2];
	[bflag:$0x3] =	sbarrier.arrive $0xFFFF;
	s2 =	simm.s32 @!p0 $0x1C02  }
0x8b: {  	[timem:s3], [sflag:s2] =	dma.local @!p0 [hbm:s0], s1  }
0x8c: {  	s0 =	simm.s32 @!p0 $0x2  }
0x8d: {  	_ =	swait.ge @!p0 [sflag:s0], s1  }
0x8e: {  	s1 =	ssub.s32 @!p0 $0x0, s1;
	[sflag:s0] =	ssyncset.done @!p0 $0x0  }
0x8f: {  	[sflag:s0] =	ssyncadd.s32 @!p0 s1  }
0x90: {  	[bflag:$0x3] =	sbarrier.arrive $0xFFFF  }
0x91: {  	_ =	shalt  }

</sc_bundles>
